<compile_context>
chip_gen: v7x
topology: tpu7x:2x2x1
jax: 0.10.2.dev20260603
libtpu: 0.0.44.dev20260713+nightly
codegen_flags: <defaults>
</compile_context>

<pallas_src>
import functools

import jax
import jax.numpy as jnp
from jax import lax
from jax.experimental import pallas as pl
from jax.experimental.pallas import tpu as pltpu
from jax.experimental.pallas import tpu_sc as plsc

B = 16384
D = 64
DP = 2 * D
N_ROWS = 1000000

NC = 2
NS = 16
NW = NC * NS
BPW = B // NW
CH = 128
NCH = BPW // CH

TRB = 8192


def _bf16_hi(x):
    b = lax.bitcast_convert_type(x, jnp.int32)
    r = b + 0x7FFF + ((b >> 16) & 1)
    return r & jnp.int32(-65536)


def _tr_body(xum, xug, xim, xig, o):
    o[:, :D] = _bf16_hi(xum[...].T) | \
        lax.shift_right_logical(_bf16_hi(xug[...].T), 16)
    o[:, D:] = _bf16_hi(xim[...].T) | \
        lax.shift_right_logical(_bf16_hi(xig[...].T), 16)


def _tc_relayout(tum, tug, tim, tig):
    in_spec = pl.BlockSpec((D, TRB), lambda j: (0, j))
    out_spec = pl.BlockSpec((TRB, DP), lambda j: (j, 0))
    return pl.pallas_call(
        _tr_body,
        grid=(pl.cdiv(N_ROWS, TRB),),
        in_specs=[in_spec] * 4,
        out_specs=out_spec,
        out_shape=jax.ShapeDtypeStruct((N_ROWS, DP), jnp.int32),
    )(tum, tug, tim, tig)


@functools.cache
def _build_sc_gather2():
    mesh = plsc.VectorSubcoreMesh(
        core_axis_name="c", subcore_axis_name="s",
        num_cores=NC, num_subcores=NS,
    )
    return pl.kernel(
        _sc_gather2_body,
        out_type=[jax.ShapeDtypeStruct((B, DP), jnp.int32)] * 2,
        mesh=mesh,
        scratch_types=[
            pltpu.VMEM((NCH, CH), jnp.int32),
            pltpu.VMEM((NCH, CH), jnp.int32),
            pltpu.VMEM((BPW, DP), jnp.int32),
            pltpu.SemaphoreType.DMA,
        ],
        compiler_params=pltpu.CompilerParams(use_tc_tiling_on_sc=True),
    )


def _sc_gather2_body(users, items, tab, o_u, o_i,
                     idx_u, idx_i, buf, sem):
    wid = lax.axis_index("s") * NC + lax.axis_index("c")
    base = wid * BPW

    for j in range(NCH):
        pltpu.sync_copy(users.at[pl.ds(base + j * CH, CH)], idx_u.at[j])
        pltpu.sync_copy(items.at[pl.ds(base + j * CH, CH)], idx_i.at[j])

    for idx, out in ((idx_u, o_u), (idx_i, o_i)):
        handles = [
            pltpu.async_copy(tab.at[idx.at[j]],
                             buf.at[pl.ds(j * CH, CH)], sem)
            for j in range(NCH)
        ]
        for h in handles:
            h.wait()
        pltpu.sync_copy(buf, out.at[pl.ds(base, BPW)])


BLK = 2048


def _unpack_hi(w):
    return lax.bitcast_convert_type(w & jnp.int32(-65536), jnp.float32)


def _unpack_lo(w):
    return lax.bitcast_convert_type(lax.shift_left(w, 16), jnp.float32)


def _mlp_body(u, i, w1u, w1i, b1, w2, b2, w3, b3, wg, bg, wf, bf, out):
    dot = functools.partial(
        jnp.dot,
        precision=lax.Precision.HIGHEST,
        preferred_element_type=jnp.float32,
    )
    uw = u[:, :D]
    iw = i[:, D:]
    um = _unpack_hi(uw)
    ug = _unpack_lo(uw)
    im = _unpack_hi(iw)
    ig = _unpack_lo(iw)
    h = jnp.maximum(dot(um, w1u[...]) + dot(im, w1i[...]) + b1[...], 0.0)
    h = jnp.maximum(dot(h, w2[...]) + b2[...], 0.0)
    h = dot(h, w3[...]) + b3[...]
    g = dot(ug * ig, wg[...]) + bg[...]
    out[...] = dot(h, wf[...][:, :32].T) + dot(g, wf[...][:, 32:].T) + bf[...]


def _tc_head(u, i, w1u, w1i, b1, w2, b2, w3, b3, wg, bg, wf, bf):
    row_spec = pl.BlockSpec((BLK, DP), lambda k: (k, 0))
    full = lambda a: pl.BlockSpec(a.shape, lambda k: (0,) * a.ndim)
    return pl.pallas_call(
        _mlp_body,
        grid=(B // BLK,),
        in_specs=[row_spec] * 2 + [
            full(w1u), full(w1i), full(b1), full(w2), full(b2), full(w3),
            full(b3), full(wg), full(bg), full(wf), full(bf),
        ],
        out_specs=pl.BlockSpec((BLK, 1), lambda k: (k, 0)),
        out_shape=jax.ShapeDtypeStruct((B, 1), jnp.float32),
    )(u, i, w1u, w1i, b1, w2, b2, w3, b3, wg, bg, wf, bf)


@jax.jit
def kernel(users, items, ue_mlp, ie_mlp, ue_gmf, ie_gmf, W_gmf, b_gmf,
           W1, b1, W2, b2, W3, b3, Wf, bf):
    packed = _tc_relayout(ue_mlp.T, ue_gmf.T, ie_mlp.T, ie_gmf.T)
    gu, gi = _build_sc_gather2()(users, items, packed)
    out = _tc_head(
        gu, gi,
        W1[:, :D].T, W1[:, D:].T, b1[None, :],
        W2.T, b2[None, :],
        W3.T, b3[None, :],
        W_gmf.T, b_gmf[None, :],
        Wf, bf[None, :],
    )
    return jnp.squeeze(out, axis=1)

# --- scband reference (transcript-rebuilt; emitter-appended) ---
"""Pipeline reference for scband-neu-mf-17635135717837 (READ-ONLY COPY).

The authoritative reference and input builder live on the scoring server;
editing this copy changes nothing except your own understanding.
"""

import jax, jax.numpy as jnp
import numpy as np

N_USERS = 1000000
N_ITEMS = 1000000
D = 64
B = 16384


def _xavier(key, out_dim, in_dim):
    limit = np.sqrt(6.0 / (in_dim + out_dim))
    return jax.random.uniform(key, (out_dim, in_dim), minval=-limit, maxval=limit, dtype=jnp.float32)


def setup_inputs(seed: int = 0) -> dict:
    key = jax.random.key(seed)
    ks = jax.random.split(key, 12)
    users = jax.random.randint(ks[0], (B,), 0, N_USERS, dtype=jnp.int64 if jax.config.jax_enable_x64 else jnp.int32)
    items = jax.random.randint(ks[1], (B,), 0, N_ITEMS, dtype=jnp.int64 if jax.config.jax_enable_x64 else jnp.int32)
    ue_mlp = jax.random.normal(ks[2], (N_USERS, D), dtype=jnp.float32) * 0.01
    ie_mlp = jax.random.normal(ks[3], (N_ITEMS, D), dtype=jnp.float32) * 0.01
    ue_gmf = jax.random.normal(ks[4], (N_USERS, D), dtype=jnp.float32) * 0.01
    ie_gmf = jax.random.normal(ks[5], (N_ITEMS, D), dtype=jnp.float32) * 0.01
    W_gmf = _xavier(ks[6], D // 2, D)
    b_gmf = jnp.zeros((D // 2,), dtype=jnp.float32)
    W1 = _xavier(ks[7], D, 2 * D)
    b1 = jnp.zeros((D,), dtype=jnp.float32)
    W2 = _xavier(ks[8], D, D)
    b2 = jnp.zeros((D,), dtype=jnp.float32)
    W3 = _xavier(ks[9], D // 2, D)
    b3 = jnp.zeros((D // 2,), dtype=jnp.float32)
    Wf = _xavier(ks[10], 1, D)
    bf = jnp.zeros((1,), dtype=jnp.float32)
    return {
        'users': users, 'items': items,
        'ue_mlp': ue_mlp, 'ie_mlp': ie_mlp, 'ue_gmf': ue_gmf, 'ie_gmf': ie_gmf,
        'W_gmf': W_gmf, 'b_gmf': b_gmf,
        'W1': W1, 'b1': b1, 'W2': W2, 'b2': b2, 'W3': W3, 'b3': b3,
        'Wf': Wf, 'bf': bf,
    }


def reference(users, items, ue_mlp, ie_mlp, ue_gmf, ie_gmf, W_gmf, b_gmf, W1, b1, W2, b2, W3, b3, Wf, bf):
    # embedding lookups (gather)
    u_mlp = jnp.take(ue_mlp, users, axis=0)
    i_mlp = jnp.take(ie_mlp, items, axis=0)
    emb_mlp = jnp.concatenate([u_mlp, i_mlp], axis=1)
    u_gmf = jnp.take(ue_gmf, users, axis=0)
    i_gmf = jnp.take(ie_gmf, items, axis=0)
    emb_gmf = u_gmf * i_gmf
    out_gmf = emb_gmf @ W_gmf.T + b_gmf
    # MLP tower (dropout is identity in eval mode)
    h = jnp.maximum(emb_mlp @ W1.T + b1, 0.0)
    h = jnp.maximum(h @ W2.T + b2, 0.0)
    h = h @ W3.T + b3
    out = jnp.concatenate([h, out_gmf], axis=1)
    out = out @ Wf.T + bf
    return jnp.squeeze(out)

if __name__ == "__main__":
    import jax
    _d = setup_inputs()
    print(jax.jit(kernel)(*tuple(_d.values())))

</pallas_src>

<mosaic_0001>
#map = affine_map<(d0, d1) -> (0)>
#map1 = affine_map<(d0, d1) -> (0, 0)>
module attributes {stable_mosaic.version = 14 : i64} {
  func.func @_sc_gather2_body(%arg0: i32, %arg1: i32, %arg2: memref<16384xi32, #tpu.memory_space<hbm>>, %arg3: memref<16384xi32, #tpu.memory_space<hbm>>, %arg4: memref<1000000x128xi32, #tpu.memory_space<hbm>>, %arg5: memref<16384x128xi32, #tpu.memory_space<hbm>>, %arg6: memref<16384x128xi32, #tpu.memory_space<hbm>>, %arg7: memref<4x128xi32, #tpu.memory_space<vmem>>, %arg8: memref<4x128xi32, #tpu.memory_space<vmem>>, %arg9: memref<512x128xi32, #tpu.memory_space<vmem>>, %arg10: memref<!tpu.dma_semaphore, #tpu.memory_space<semaphore_mem>>) attributes {dimension_semantics = [#tpu.dimension_semantics<core_parallel>, #tpu.dimension_semantics<subcore_parallel>], iteration_bounds = array<i64: 2, 16>, scalar_prefetch = 0 : i64, scratch_operands = 4 : i64, tpu.core_type = #tpu.core_type<sc_vector_subcore>, window_params = [{transform_indices = #map}, {transform_indices = #map}, {transform_indices = #map1}, {transform_indices = #map1}, {transform_indices = #map1}]} {
    %mul3A = arith.constant 2 : i32
    %mul3A_0 = arith.muli %arg1, %mul3A : i32
    %add3A = arith.addi %mul3A_0, %arg0 : i32
    %mul3A_1 = arith.constant 512 : i32
    %mul3A_2 = arith.muli %add3A, %mul3A_1 : i32
    %add3A_3 = arith.constant 0 : i32
    %add3A_4 = arith.addi %mul3A_2, %add3A_3 : i32
    %run_scoped3A = arith.constant 0 : i32
    "tpu.region"() ({
      %run_scoped3A_184 = tpu.sem_alloc : memref<!tpu.dma_semaphore, #tpu.memory_space<semaphore_mem>>
      %dma_start3A_185 = arith.constant 0 : i32
      %dma_start3A_186 = tpu.memref_slice %arg7[%run_scoped3A, %dma_start3A_185] : memref<4x128xi32, #tpu.memory_space<vmem>> -> memref<1x128xi32, #tpu.memory_space<vmem>>
      %dma_start3A_187 = tpu.memref_squeeze %dma_start3A_186 : memref<1x128xi32, #tpu.memory_space<vmem>> -> memref<128xi32, #tpu.memory_space<vmem>>
      %dma_start3A_188 = tpu.memref_slice %arg2[%add3A_4] : memref<16384xi32, #tpu.memory_space<hbm>> -> memref<128xi32, #tpu.memory_space<hbm>>
      %dma_start3A_189 = arith.constant 0 : i32
      %dma_start3A_190 = tpu.memref_slice %arg7[%run_scoped3A, %dma_start3A_189] : memref<4x128xi32, #tpu.memory_space<vmem>> -> memref<1x128xi32, #tpu.memory_space<vmem>>
      %dma_start3A_191 = tpu.memref_squeeze %dma_start3A_190 : memref<1x128xi32, #tpu.memory_space<vmem>> -> memref<128xi32, #tpu.memory_space<vmem>>
      %dma_start3A_192 = tpu.memref_slice %arg2[%add3A_4] : memref<16384xi32, #tpu.memory_space<hbm>> -> memref<128xi32, #tpu.memory_space<hbm>>
      tpu.enqueue_dma source(%dma_start3A_192 : memref<128xi32, #tpu.memory_space<hbm>>) target(%dma_start3A_191 : memref<128xi32, #tpu.memory_space<vmem>>) target_semaphore(%run_scoped3A_184 : memref<!tpu.dma_semaphore, #tpu.memory_space<semaphore_mem>>)
      %dma_wait3A_193 = arith.constant 0 : i32
      %dma_wait3A_194 = tpu.memref_slice %arg7[%run_scoped3A, %dma_wait3A_193] : memref<4x128xi32, #tpu.memory_space<vmem>> -> memref<1x128xi32, #tpu.memory_space<vmem>>
      %dma_wait3A_195 = tpu.memref_squeeze %dma_wait3A_194 : memref<1x128xi32, #tpu.memory_space<vmem>> -> memref<128xi32, #tpu.memory_space<vmem>>
      %dma_wait3A_196 = tpu.memref_slice %arg2[%add3A_4] : memref<16384xi32, #tpu.memory_space<hbm>> -> memref<128xi32, #tpu.memory_space<hbm>>
      %dma_wait3A_197 = arith.constant 0 : i32
      %dma_wait3A_198 = tpu.memref_slice %arg7[%run_scoped3A, %dma_wait3A_197] : memref<4x128xi32, #tpu.memory_space<vmem>> -> memref<1x128xi32, #tpu.memory_space<vmem>>
      %dma_wait3A_199 = tpu.memref_squeeze %dma_wait3A_198 : memref<1x128xi32, #tpu.memory_space<vmem>> -> memref<128xi32, #tpu.memory_space<vmem>>
      %dma_wait3A_200 = tpu.memref_slice %arg2[%add3A_4] : memref<16384xi32, #tpu.memory_space<hbm>> -> memref<128xi32, #tpu.memory_space<hbm>>
      tpu.wait_dma2 semaphore(%run_scoped3A_184 : memref<!tpu.dma_semaphore, #tpu.memory_space<semaphore_mem>>) src(%dma_wait3A_200 : memref<128xi32, #tpu.memory_space<hbm>>) dst(%dma_wait3A_199 : memref<128xi32, #tpu.memory_space<vmem>>)
      tpu.yield
    }) : () -> ()
    %add3A_5 = arith.constant 0 : i32
    %add3A_6 = arith.addi %mul3A_2, %add3A_5 : i32
    %run_scoped3A_7 = arith.constant 0 : i32
    "tpu.region"() ({
      %run_scoped3A_184 = tpu.sem_alloc : memref<!tpu.dma_semaphore, #tpu.memory_space<semaphore_mem>>
      %dma_start3A_185 = arith.constant 0 : i32
      %dma_start3A_186 = tpu.memref_slice %arg8[%run_scoped3A_7, %dma_start3A_185] : memref<4x128xi32, #tpu.memory_space<vmem>> -> memref<1x128xi32, #tpu.memory_space<vmem>>
      %dma_start3A_187 = tpu.memref_squeeze %dma_start3A_186 : memref<1x128xi32, #tpu.memory_space<vmem>> -> memref<128xi32, #tpu.memory_space<vmem>>
      %dma_start3A_188 = tpu.memref_slice %arg3[%add3A_6] : memref<16384xi32, #tpu.memory_space<hbm>> -> memref<128xi32, #tpu.memory_space<hbm>>
      %dma_start3A_189 = arith.constant 0 : i32
      %dma_start3A_190 = tpu.memref_slice %arg8[%run_scoped3A_7, %dma_start3A_189] : memref<4x128xi32, #tpu.memory_space<vmem>> -> memref<1x128xi32, #tpu.memory_space<vmem>>
      %dma_start3A_191 = tpu.memref_squeeze %dma_start3A_190 : memref<1x128xi32, #tpu.memory_space<vmem>> -> memref<128xi32, #tpu.memory_space<vmem>>
      %dma_start3A_192 = tpu.memref_slice %arg3[%add3A_6] : memref<16384xi32, #tpu.memory_space<hbm>> -> memref<128xi32, #tpu.memory_space<hbm>>
      tpu.enqueue_dma source(%dma_start3A_192 : memref<128xi32, #tpu.memory_space<hbm>>) target(%dma_start3A_191 : memref<128xi32, #tpu.memory_space<vmem>>) target_semaphore(%run_scoped3A_184 : memref<!tpu.dma_semaphore, #tpu.memory_space<semaphore_mem>>)
      %dma_wait3A_193 = arith.constant 0 : i32
      %dma_wait3A_194 = tpu.memref_slice %arg8[%run_scoped3A_7, %dma_wait3A_193] : memref<4x128xi32, #tpu.memory_space<vmem>> -> memref<1x128xi32, #tpu.memory_space<vmem>>
      %dma_wait3A_195 = tpu.memref_squeeze %dma_wait3A_194 : memref<1x128xi32, #tpu.memory_space<vmem>> -> memref<128xi32, #tpu.memory_space<vmem>>
      %dma_wait3A_196 = tpu.memref_slice %arg3[%add3A_6] : memref<16384xi32, #tpu.memory_space<hbm>> -> memref<128xi32, #tpu.memory_space<hbm>>
      %dma_wait3A_197 = arith.constant 0 : i32
      %dma_wait3A_198 = tpu.memref_slice %arg8[%run_scoped3A_7, %dma_wait3A_197] : memref<4x128xi32, #tpu.memory_space<vmem>> -> memref<1x128xi32, #tpu.memory_space<vmem>>
      %dma_wait3A_199 = tpu.memref_squeeze %dma_wait3A_198 : memref<1x128xi32, #tpu.memory_space<vmem>> -> memref<128xi32, #tpu.memory_space<vmem>>
      %dma_wait3A_200 = tpu.memref_slice %arg3[%add3A_6] : memref<16384xi32, #tpu.memory_space<hbm>> -> memref<128xi32, #tpu.memory_space<hbm>>
      tpu.wait_dma2 semaphore(%run_scoped3A_184 : memref<!tpu.dma_semaphore, #tpu.memory_space<semaphore_mem>>) src(%dma_wait3A_200 : memref<128xi32, #tpu.memory_space<hbm>>) dst(%dma_wait3A_199 : memref<128xi32, #tpu.memory_space<vmem>>)
      tpu.yield
    }) : () -> ()
    %add3A_8 = arith.constant 128 : i32
    %add3A_9 = arith.addi %mul3A_2, %add3A_8 : i32
    %run_scoped3A_10 = arith.constant 1 : i32
    "tpu.region"() ({
      %run_scoped3A_184 = tpu.sem_alloc : memref<!tpu.dma_semaphore, #tpu.memory_space<semaphore_mem>>
      %dma_start3A_185 = arith.constant 0 : i32
      %dma_start3A_186 = tpu.memref_slice %arg7[%run_scoped3A_10, %dma_start3A_185] : memref<4x128xi32, #tpu.memory_space<vmem>> -> memref<1x128xi32, #tpu.memory_space<vmem>>
      %dma_start3A_187 = tpu.memref_squeeze %dma_start3A_186 : memref<1x128xi32, #tpu.memory_space<vmem>> -> memref<128xi32, #tpu.memory_space<vmem>>
      %dma_start3A_188 = tpu.memref_slice %arg2[%add3A_9] : memref<16384xi32, #tpu.memory_space<hbm>> -> memref<128xi32, #tpu.memory_space<hbm>>
      %dma_start3A_189 = arith.constant 0 : i32
      %dma_start3A_190 = tpu.memref_slice %arg7[%run_scoped3A_10, %dma_start3A_189] : memref<4x128xi32, #tpu.memory_space<vmem>> -> memref<1x128xi32, #tpu.memory_space<vmem>>
      %dma_start3A_191 = tpu.memref_squeeze %dma_start3A_190 : memref<1x128xi32, #tpu.memory_space<vmem>> -> memref<128xi32, #tpu.memory_space<vmem>>
      %dma_start3A_192 = tpu.memref_slice %arg2[%add3A_9] : memref<16384xi32, #tpu.memory_space<hbm>> -> memref<128xi32, #tpu.memory_space<hbm>>
      tpu.enqueue_dma source(%dma_start3A_192 : memref<128xi32, #tpu.memory_space<hbm>>) target(%dma_start3A_191 : memref<128xi32, #tpu.memory_space<vmem>>) target_semaphore(%run_scoped3A_184 : memref<!tpu.dma_semaphore, #tpu.memory_space<semaphore_mem>>)
      %dma_wait3A_193 = arith.constant 0 : i32
      %dma_wait3A_194 = tpu.memref_slice %arg7[%run_scoped3A_10, %dma_wait3A_193] : memref<4x128xi32, #tpu.memory_space<vmem>> -> memref<1x128xi32, #tpu.memory_space<vmem>>
      %dma_wait3A_195 = tpu.memref_squeeze %dma_wait3A_194 : memref<1x128xi32, #tpu.memory_space<vmem>> -> memref<128xi32, #tpu.memory_space<vmem>>
      %dma_wait3A_196 = tpu.memref_slice %arg2[%add3A_9] : memref<16384xi32, #tpu.memory_space<hbm>> -> memref<128xi32, #tpu.memory_space<hbm>>
      %dma_wait3A_197 = arith.constant 0 : i32
      %dma_wait3A_198 = tpu.memref_slice %arg7[%run_scoped3A_10, %dma_wait3A_197] : memref<4x128xi32, #tpu.memory_space<vmem>> -> memref<1x128xi32, #tpu.memory_space<vmem>>
      %dma_wait3A_199 = tpu.memref_squeeze %dma_wait3A_198 : memref<1x128xi32, #tpu.memory_space<vmem>> -> memref<128xi32, #tpu.memory_space<vmem>>
      %dma_wait3A_200 = tpu.memref_slice %arg2[%add3A_9] : memref<16384xi32, #tpu.memory_space<hbm>> -> memref<128xi32, #tpu.memory_space<hbm>>
      tpu.wait_dma2 semaphore(%run_scoped3A_184 : memref<!tpu.dma_semaphore, #tpu.memory_space<semaphore_mem>>) src(%dma_wait3A_200 : memref<128xi32, #tpu.memory_space<hbm>>) dst(%dma_wait3A_199 : memref<128xi32, #tpu.memory_space<vmem>>)
      tpu.yield
    }) : () -> ()
    %add3A_11 = arith.constant 128 : i32
    %add3A_12 = arith.addi %mul3A_2, %add3A_11 : i32
    %run_scoped3A_13 = arith.constant 1 : i32
    "tpu.region"() ({
      %run_scoped3A_184 = tpu.sem_alloc : memref<!tpu.dma_semaphore, #tpu.memory_space<semaphore_mem>>
      %dma_start3A_185 = arith.constant 0 : i32
      %dma_start3A_186 = tpu.memref_slice %arg8[%run_scoped3A_13, %dma_start3A_185] : memref<4x128xi32, #tpu.memory_space<vmem>> -> memref<1x128xi32, #tpu.memory_space<vmem>>
      %dma_start3A_187 = tpu.memref_squeeze %dma_start3A_186 : memref<1x128xi32, #tpu.memory_space<vmem>> -> memref<128xi32, #tpu.memory_space<vmem>>
      %dma_start3A_188 = tpu.memref_slice %arg3[%add3A_12] : memref<16384xi32, #tpu.memory_space<hbm>> -> memref<128xi32, #tpu.memory_space<hbm>>
      %dma_start3A_189 = arith.constant 0 : i32
      %dma_start3A_190 = tpu.memref_slice %arg8[%run_scoped3A_13, %dma_start3A_189] : memref<4x128xi32, #tpu.memory_space<vmem>> -> memref<1x128xi32, #tpu.memory_space<vmem>>
      %dma_start3A_191 = tpu.memref_squeeze %dma_start3A_190 : memref<1x128xi32, #tpu.memory_space<vmem>> -> memref<128xi32, #tpu.memory_space<vmem>>
      %dma_start3A_192 = tpu.memref_slice %arg3[%add3A_12] : memref<16384xi32, #tpu.memory_space<hbm>> -> memref<128xi32, #tpu.memory_space<hbm>>
      tpu.enqueue_dma source(%dma_start3A_192 : memref<128xi32, #tpu.memory_space<hbm>>) target(%dma_start3A_191 : memref<128xi32, #tpu.memory_space<vmem>>) target_semaphore(%run_scoped3A_184 : memref<!tpu.dma_semaphore, #tpu.memory_space<semaphore_mem>>)
      %dma_wait3A_193 = arith.constant 0 : i32
      %dma_wait3A_194 = tpu.memref_slice %arg8[%run_scoped3A_13, %dma_wait3A_193] : memref<4x128xi32, #tpu.memory_space<vmem>> -> memref<1x128xi32, #tpu.memory_space<vmem>>
      %dma_wait3A_195 = tpu.memref_squeeze %dma_wait3A_194 : memref<1x128xi32, #tpu.memory_space<vmem>> -> memref<128xi32, #tpu.memory_space<vmem>>
      %dma_wait3A_196 = tpu.memref_slice %arg3[%add3A_12] : memref<16384xi32, #tpu.memory_space<hbm>> -> memref<128xi32, #tpu.memory_space<hbm>>
      %dma_wait3A_197 = arith.constant 0 : i32
      %dma_wait3A_198 = tpu.memref_slice %arg8[%run_scoped3A_13, %dma_wait3A_197] : memref<4x128xi32, #tpu.memory_space<vmem>> -> memref<1x128xi32, #tpu.memory_space<vmem>>
      %dma_wait3A_199 = tpu.memref_squeeze %dma_wait3A_198 : memref<1x128xi32, #tpu.memory_space<vmem>> -> memref<128xi32, #tpu.memory_space<vmem>>
      %dma_wait3A_200 = tpu.memref_slice %arg3[%add3A_12] : memref<16384xi32, #tpu.memory_space<hbm>> -> memref<128xi32, #tpu.memory_space<hbm>>
      tpu.wait_dma2 semaphore(%run_scoped3A_184 : memref<!tpu.dma_semaphore, #tpu.memory_space<semaphore_mem>>) src(%dma_wait3A_200 : memref<128xi32, #tpu.memory_space<hbm>>) dst(%dma_wait3A_199 : memref<128xi32, #tpu.memory_space<vmem>>)
      tpu.yield
    }) : () -> ()
    %add3A_14 = arith.constant 256 : i32
    %add3A_15 = arith.addi %mul3A_2, %add3A_14 : i32
    %run_scoped3A_16 = arith.constant 2 : i32
    "tpu.region"() ({
      %run_scoped3A_184 = tpu.sem_alloc : memref<!tpu.dma_semaphore, #tpu.memory_space<semaphore_mem>>
      %dma_start3A_185 = arith.constant 0 : i32
      %dma_start3A_186 = tpu.memref_slice %arg7[%run_scoped3A_16, %dma_start3A_185] : memref<4x128xi32, #tpu.memory_space<vmem>> -> memref<1x128xi32, #tpu.memory_space<vmem>>
      %dma_start3A_187 = tpu.memref_squeeze %dma_start3A_186 : memref<1x128xi32, #tpu.memory_space<vmem>> -> memref<128xi32, #tpu.memory_space<vmem>>
      %dma_start3A_188 = tpu.memref_slice %arg2[%add3A_15] : memref<16384xi32, #tpu.memory_space<hbm>> -> memref<128xi32, #tpu.memory_space<hbm>>
      %dma_start3A_189 = arith.constant 0 : i32
      %dma_start3A_190 = tpu.memref_slice %arg7[%run_scoped3A_16, %dma_start3A_189] : memref<4x128xi32, #tpu.memory_space<vmem>> -> memref<1x128xi32, #tpu.memory_space<vmem>>
      %dma_start3A_191 = tpu.memref_squeeze %dma_start3A_190 : memref<1x128xi32, #tpu.memory_space<vmem>> -> memref<128xi32, #tpu.memory_space<vmem>>
      %dma_start3A_192 = tpu.memref_slice %arg2[%add3A_15] : memref<16384xi32, #tpu.memory_space<hbm>> -> memref<128xi32, #tpu.memory_space<hbm>>
      tpu.enqueue_dma source(%dma_start3A_192 : memref<128xi32, #tpu.memory_space<hbm>>) target(%dma_start3A_191 : memref<128xi32, #tpu.memory_space<vmem>>) target_semaphore(%run_scoped3A_184 : memref<!tpu.dma_semaphore, #tpu.memory_space<semaphore_mem>>)
      %dma_wait3A_193 = arith.constant 0 : i32
      %dma_wait3A_194 = tpu.memref_slice %arg7[%run_scoped3A_16, %dma_wait3A_193] : memref<4x128xi32, #tpu.memory_space<vmem>> -> memref<1x128xi32, #tpu.memory_space<vmem>>
      %dma_wait3A_195 = tpu.memref_squeeze %dma_wait3A_194 : memref<1x128xi32, #tpu.memory_space<vmem>> -> memref<128xi32, #tpu.memory_space<vmem>>
      %dma_wait3A_196 = tpu.memref_slice %arg2[%add3A_15] : memref<16384xi32, #tpu.memory_space<hbm>> -> memref<128xi32, #tpu.memory_space<hbm>>
      %dma_wait3A_197 = arith.constant 0 : i32
      %dma_wait3A_198 = tpu.memref_slice %arg7[%run_scoped3A_16, %dma_wait3A_197] : memref<4x128xi32, #tpu.memory_space<vmem>> -> memref<1x128xi32, #tpu.memory_space<vmem>>
      %dma_wait3A_199 = tpu.memref_squeeze %dma_wait3A_198 : memref<1x128xi32, #tpu.memory_space<vmem>> -> memref<128xi32, #tpu.memory_space<vmem>>
      %dma_wait3A_200 = tpu.memref_slice %arg2[%add3A_15] : memref<16384xi32, #tpu.memory_space<hbm>> -> memref<128xi32, #tpu.memory_space<hbm>>
      tpu.wait_dma2 semaphore(%run_scoped3A_184 : memref<!tpu.dma_semaphore, #tpu.memory_space<semaphore_mem>>) src(%dma_wait3A_200 : memref<128xi32, #tpu.memory_space<hbm>>) dst(%dma_wait3A_199 : memref<128xi32, #tpu.memory_space<vmem>>)
      tpu.yield
    }) : () -> ()
    %add3A_17 = arith.constant 256 : i32
    %add3A_18 = arith.addi %mul3A_2, %add3A_17 : i32
    %run_scoped3A_19 = arith.constant 2 : i32
    "tpu.region"() ({
      %run_scoped3A_184 = tpu.sem_alloc : memref<!tpu.dma_semaphore, #tpu.memory_space<semaphore_mem>>
      %dma_start3A_185 = arith.constant 0 : i32
      %dma_start3A_186 = tpu.memref_slice %arg8[%run_scoped3A_19, %dma_start3A_185] : memref<4x128xi32, #tpu.memory_space<vmem>> -> memref<1x128xi32, #tpu.memory_space<vmem>>
      %dma_start3A_187 = tpu.memref_squeeze %dma_start3A_186 : memref<1x128xi32, #tpu.memory_space<vmem>> -> memref<128xi32, #tpu.memory_space<vmem>>
      %dma_start3A_188 = tpu.memref_slice %arg3[%add3A_18] : memref<16384xi32, #tpu.memory_space<hbm>> -> memref<128xi32, #tpu.memory_space<hbm>>
      %dma_start3A_189 = arith.constant 0 : i32
      %dma_start3A_190 = tpu.memref_slice %arg8[%run_scoped3A_19, %dma_start3A_189] : memref<4x128xi32, #tpu.memory_space<vmem>> -> memref<1x128xi32, #tpu.memory_space<vmem>>
      %dma_start3A_191 = tpu.memref_squeeze %dma_start3A_190 : memref<1x128xi32, #tpu.memory_space<vmem>> -> memref<128xi32, #tpu.memory_space<vmem>>
      %dma_start3A_192 = tpu.memref_slice %arg3[%add3A_18] : memref<16384xi32, #tpu.memory_space<hbm>> -> memref<128xi32, #tpu.memory_space<hbm>>
      tpu.enqueue_dma source(%dma_start3A_192 : memref<128xi32, #tpu.memory_space<hbm>>) target(%dma_start3A_191 : memref<128xi32, #tpu.memory_space<vmem>>) target_semaphore(%run_scoped3A_184 : memref<!tpu.dma_semaphore, #tpu.memory_space<semaphore_mem>>)
      %dma_wait3A_193 = arith.constant 0 : i32
      %dma_wait3A_194 = tpu.memref_slice %arg8[%run_scoped3A_19, %dma_wait3A_193] : memref<4x128xi32, #tpu.memory_space<vmem>> -> memref<1x128xi32, #tpu.memory_space<vmem>>
      %dma_wait3A_195 = tpu.memref_squeeze %dma_wait3A_194 : memref<1x128xi32, #tpu.memory_space<vmem>> -> memref<128xi32, #tpu.memory_space<vmem>>
      %dma_wait3A_196 = tpu.memref_slice %arg3[%add3A_18] : memref<16384xi32, #tpu.memory_space<hbm>> -> memref<128xi32, #tpu.memory_space<hbm>>
      %dma_wait3A_197 = arith.constant 0 : i32
      %dma_wait3A_198 = tpu.memref_slice %arg8[%run_scoped3A_19, %dma_wait3A_197] : memref<4x128xi32, #tpu.memory_space<vmem>> -> memref<1x128xi32, #tpu.memory_space<vmem>>
      %dma_wait3A_199 = tpu.memref_squeeze %dma_wait3A_198 : memref<1x128xi32, #tpu.memory_space<vmem>> -> memref<128xi32, #tpu.memory_space<vmem>>
      %dma_wait3A_200 = tpu.memref_slice %arg3[%add3A_18] : memref<16384xi32, #tpu.memory_space<hbm>> -> memref<128xi32, #tpu.memory_space<hbm>>
      tpu.wait_dma2 semaphore(%run_scoped3A_184 : memref<!tpu.dma_semaphore, #tpu.memory_space<semaphore_mem>>) src(%dma_wait3A_200 : memref<128xi32, #tpu.memory_space<hbm>>) dst(%dma_wait3A_199 : memref<128xi32, #tpu.memory_space<vmem>>)
      tpu.yield
    }) : () -> ()
    %add3A_20 = arith.constant 384 : i32
    %add3A_21 = arith.addi %mul3A_2, %add3A_20 : i32
    %run_scoped3A_22 = arith.constant 3 : i32
    "tpu.region"() ({
      %run_scoped3A_184 = tpu.sem_alloc : memref<!tpu.dma_semaphore, #tpu.memory_space<semaphore_mem>>
      %dma_start3A_185 = arith.constant 0 : i32
      %dma_start3A_186 = tpu.memref_slice %arg7[%run_scoped3A_22, %dma_start3A_185] : memref<4x128xi32, #tpu.memory_space<vmem>> -> memref<1x128xi32, #tpu.memory_space<vmem>>
      %dma_start3A_187 = tpu.memref_squeeze %dma_start3A_186 : memref<1x128xi32, #tpu.memory_space<vmem>> -> memref<128xi32, #tpu.memory_space<vmem>>
      %dma_start3A_188 = tpu.memref_slice %arg2[%add3A_21] : memref<16384xi32, #tpu.memory_space<hbm>> -> memref<128xi32, #tpu.memory_space<hbm>>
      %dma_start3A_189 = arith.constant 0 : i32
      %dma_start3A_190 = tpu.memref_slice %arg7[%run_scoped3A_22, %dma_start3A_189] : memref<4x128xi32, #tpu.memory_space<vmem>> -> memref<1x128xi32, #tpu.memory_space<vmem>>
      %dma_start3A_191 = tpu.memref_squeeze %dma_start3A_190 : memref<1x128xi32, #tpu.memory_space<vmem>> -> memref<128xi32, #tpu.memory_space<vmem>>
      %dma_start3A_192 = tpu.memref_slice %arg2[%add3A_21] : memref<16384xi32, #tpu.memory_space<hbm>> -> memref<128xi32, #tpu.memory_space<hbm>>
      tpu.enqueue_dma source(%dma_start3A_192 : memref<128xi32, #tpu.memory_space<hbm>>) target(%dma_start3A_191 : memref<128xi32, #tpu.memory_space<vmem>>) target_semaphore(%run_scoped3A_184 : memref<!tpu.dma_semaphore, #tpu.memory_space<semaphore_mem>>)
      %dma_wait3A_193 = arith.constant 0 : i32
      %dma_wait3A_194 = tpu.memref_slice %arg7[%run_scoped3A_22, %dma_wait3A_193] : memref<4x128xi32, #tpu.memory_space<vmem>> -> memref<1x128xi32, #tpu.memory_space<vmem>>
      %dma_wait3A_195 = tpu.memref_squeeze %dma_wait3A_194 : memref<1x128xi32, #tpu.memory_space<vmem>> -> memref<128xi32, #tpu.memory_space<vmem>>
      %dma_wait3A_196 = tpu.memref_slice %arg2[%add3A_21] : memref<16384xi32, #tpu.memory_space<hbm>> -> memref<128xi32, #tpu.memory_space<hbm>>
      %dma_wait3A_197 = arith.constant 0 : i32
      %dma_wait3A_198 = tpu.memref_slice %arg7[%run_scoped3A_22, %dma_wait3A_197] : memref<4x128xi32, #tpu.memory_space<vmem>> -> memref<1x128xi32, #tpu.memory_space<vmem>>
      %dma_wait3A_199 = tpu.memref_squeeze %dma_wait3A_198 : memref<1x128xi32, #tpu.memory_space<vmem>> -> memref<128xi32, #tpu.memory_space<vmem>>
      %dma_wait3A_200 = tpu.memref_slice %arg2[%add3A_21] : memref<16384xi32, #tpu.memory_space<hbm>> -> memref<128xi32, #tpu.memory_space<hbm>>
      tpu.wait_dma2 semaphore(%run_scoped3A_184 : memref<!tpu.dma_semaphore, #tpu.memory_space<semaphore_mem>>) src(%dma_wait3A_200 : memref<128xi32, #tpu.memory_space<hbm>>) dst(%dma_wait3A_199 : memref<128xi32, #tpu.memory_space<vmem>>)
      tpu.yield
    }) : () -> ()
    %add3A_23 = arith.constant 384 : i32
    %add3A_24 = arith.addi %mul3A_2, %add3A_23 : i32
    %run_scoped3A_25 = arith.constant 3 : i32
    "tpu.region"() ({
      %run_scoped3A_184 = tpu.sem_alloc : memref<!tpu.dma_semaphore, #tpu.memory_space<semaphore_mem>>
      %dma_start3A_185 = arith.constant 0 : i32
      %dma_start3A_186 = tpu.memref_slice %arg8[%run_scoped3A_25, %dma_start3A_185] : memref<4x128xi32, #tpu.memory_space<vmem>> -> memref<1x128xi32, #tpu.memory_space<vmem>>
      %dma_start3A_187 = tpu.memref_squeeze %dma_start3A_186 : memref<1x128xi32, #tpu.memory_space<vmem>> -> memref<128xi32, #tpu.memory_space<vmem>>
      %dma_start3A_188 = tpu.memref_slice %arg3[%add3A_24] : memref<16384xi32, #tpu.memory_space<hbm>> -> memref<128xi32, #tpu.memory_space<hbm>>
      %dma_start3A_189 = arith.constant 0 : i32
      %dma_start3A_190 = tpu.memref_slice %arg8[%run_scoped3A_25, %dma_start3A_189] : memref<4x128xi32, #tpu.memory_space<vmem>> -> memref<1x128xi32, #tpu.memory_space<vmem>>
      %dma_start3A_191 = tpu.memref_squeeze %dma_start3A_190 : memref<1x128xi32, #tpu.memory_space<vmem>> -> memref<128xi32, #tpu.memory_space<vmem>>
      %dma_start3A_192 = tpu.memref_slice %arg3[%add3A_24] : memref<16384xi32, #tpu.memory_space<hbm>> -> memref<128xi32, #tpu.memory_space<hbm>>
      tpu.enqueue_dma source(%dma_start3A_192 : memref<128xi32, #tpu.memory_space<hbm>>) target(%dma_start3A_191 : memref<128xi32, #tpu.memory_space<vmem>>) target_semaphore(%run_scoped3A_184 : memref<!tpu.dma_semaphore, #tpu.memory_space<semaphore_mem>>)
      %dma_wait3A_193 = arith.constant 0 : i32
      %dma_wait3A_194 = tpu.memref_slice %arg8[%run_scoped3A_25, %dma_wait3A_193] : memref<4x128xi32, #tpu.memory_space<vmem>> -> memref<1x128xi32, #tpu.memory_space<vmem>>
      %dma_wait3A_195 = tpu.memref_squeeze %dma_wait3A_194 : memref<1x128xi32, #tpu.memory_space<vmem>> -> memref<128xi32, #tpu.memory_space<vmem>>
      %dma_wait3A_196 = tpu.memref_slice %arg3[%add3A_24] : memref<16384xi32, #tpu.memory_space<hbm>> -> memref<128xi32, #tpu.memory_space<hbm>>
      %dma_wait3A_197 = arith.constant 0 : i32
      %dma_wait3A_198 = tpu.memref_slice %arg8[%run_scoped3A_25, %dma_wait3A_197] : memref<4x128xi32, #tpu.memory_space<vmem>> -> memref<1x128xi32, #tpu.memory_space<vmem>>
      %dma_wait3A_199 = tpu.memref_squeeze %dma_wait3A_198 : memref<1x128xi32, #tpu.memory_space<vmem>> -> memref<128xi32, #tpu.memory_space<vmem>>
      %dma_wait3A_200 = tpu.memref_slice %arg3[%add3A_24] : memref<16384xi32, #tpu.memory_space<hbm>> -> memref<128xi32, #tpu.memory_space<hbm>>
      tpu.wait_dma2 semaphore(%run_scoped3A_184 : memref<!tpu.dma_semaphore, #tpu.memory_space<semaphore_mem>>) src(%dma_wait3A_200 : memref<128xi32, #tpu.memory_space<hbm>>) dst(%dma_wait3A_199 : memref<128xi32, #tpu.memory_space<vmem>>)
      tpu.yield
    }) : () -> ()
    %dma_start3A = arith.constant 0 : i32
    %dma_start3A_26 = arith.constant 0 : i32
    %dma_start3A_27 = arith.constant 0 : i32
    %dma_start3A_28 = tpu.memref_slice %arg9[%dma_start3A_26, %dma_start3A_27] : memref<512x128xi32, #tpu.memory_space<vmem>> -> memref<128x128xi32, #tpu.memory_space<vmem>>
    %dma_start3A_29 = arith.constant 0 : i32
    %dma_start3A_30 = tpu.memref_slice %arg7[%dma_start3A, %dma_start3A_29] : memref<4x128xi32, #tpu.memory_space<vmem>> -> memref<1x128xi32, #tpu.memory_space<vmem>>
    %dma_start3A_31 = tpu.memref_squeeze %dma_start3A_30 : memref<1x128xi32, #tpu.memory_space<vmem>> -> memref<128xi32, #tpu.memory_space<vmem>>
    %dma_start3A_32 = arith.constant 0 : i32
    %dma_start3A_33 = arith.constant 0 : i32
    %dma_start3A_34 = tpu.memref_slice %arg4[%dma_start3A_32, %dma_start3A_33] : memref<1000000x128xi32, #tpu.memory_space<hbm>> -> memref<1000000x128xi32, #tpu.memory_space<hbm>>
    tpu.enqueue_indirect_dma source(%dma_start3A_34 : memref<1000000x128xi32, #tpu.memory_space<hbm>>) target(%dma_start3A_28 : memref<128x128xi32, #tpu.memory_space<vmem>>) offsets(%dma_start3A_31 : memref<128xi32, #tpu.memory_space<vmem>>) semaphore(%arg10 : memref<!tpu.dma_semaphore, #tpu.memory_space<semaphore_mem>>)
    %dma_start3A_35 = arith.constant 1 : i32
    %dma_start3A_36 = arith.constant 128 : i32
    %dma_start3A_37 = arith.constant 0 : i32
    %dma_start3A_38 = tpu.memref_slice %arg9[%dma_start3A_36, %dma_start3A_37] : memref<512x128xi32, #tpu.memory_space<vmem>> -> memref<128x128xi32, #tpu.memory_space<vmem>>
    %dma_start3A_39 = arith.constant 0 : i32
    %dma_start3A_40 = tpu.memref_slice %arg7[%dma_start3A_35, %dma_start3A_39] : memref<4x128xi32, #tpu.memory_space<vmem>> -> memref<1x128xi32, #tpu.memory_space<vmem>>
    %dma_start3A_41 = tpu.memref_squeeze %dma_start3A_40 : memref<1x128xi32, #tpu.memory_space<vmem>> -> memref<128xi32, #tpu.memory_space<vmem>>
    %dma_start3A_42 = arith.constant 0 : i32
    %dma_start3A_43 = arith.constant 0 : i32
    %dma_start3A_44 = tpu.memref_slice %arg4[%dma_start3A_42, %dma_start3A_43] : memref<1000000x128xi32, #tpu.memory_space<hbm>> -> memref<1000000x128xi32, #tpu.memory_space<hbm>>
    tpu.enqueue_indirect_dma source(%dma_start3A_44 : memref<1000000x128xi32, #tpu.memory_space<hbm>>) target(%dma_start3A_38 : memref<128x128xi32, #tpu.memory_space<vmem>>) offsets(%dma_start3A_41 : memref<128xi32, #tpu.memory_space<vmem>>) semaphore(%arg10 : memref<!tpu.dma_semaphore, #tpu.memory_space<semaphore_mem>>)
    %dma_start3A_45 = arith.constant 2 : i32
    %dma_start3A_46 = arith.constant 256 : i32
    %dma_start3A_47 = arith.constant 0 : i32
    %dma_start3A_48 = tpu.memref_slice %arg9[%dma_start3A_46, %dma_start3A_47] : memref<512x128xi32, #tpu.memory_space<vmem>> -> memref<128x128xi32, #tpu.memory_space<vmem>>
    %dma_start3A_49 = arith.constant 0 : i32
    %dma_start3A_50 = tpu.memref_slice %arg7[%dma_start3A_45, %dma_start3A_49] : memref<4x128xi32, #tpu.memory_space<vmem>> -> memref<1x128xi32, #tpu.memory_space<vmem>>
    %dma_start3A_51 = tpu.memref_squeeze %dma_start3A_50 : memref<1x128xi32, #tpu.memory_space<vmem>> -> memref<128xi32, #tpu.memory_space<vmem>>
    %dma_start3A_52 = arith.constant 0 : i32
    %dma_start3A_53 = arith.constant 0 : i32
    %dma_start3A_54 = tpu.memref_slice %arg4[%dma_start3A_52, %dma_start3A_53] : memref<1000000x128xi32, #tpu.memory_space<hbm>> -> memref<1000000x128xi32, #tpu.memory_space<hbm>>
    tpu.enqueue_indirect_dma source(%dma_start3A_54 : memref<1000000x128xi32, #tpu.memory_space<hbm>>) target(%dma_start3A_48 : memref<128x128xi32, #tpu.memory_space<vmem>>) offsets(%dma_start3A_51 : memref<128xi32, #tpu.memory_space<vmem>>) semaphore(%arg10 : memref<!tpu.dma_semaphore, #tpu.memory_space<semaphore_mem>>)
    %dma_start3A_55 = arith.constant 3 : i32
    %dma_start3A_56 = arith.constant 384 : i32
    %dma_start3A_57 = arith.constant 0 : i32
    %dma_start3A_58 = tpu.memref_slice %arg9[%dma_start3A_56, %dma_start3A_57] : memref<512x128xi32, #tpu.memory_space<vmem>> -> memref<128x128xi32, #tpu.memory_space<vmem>>
    %dma_start3A_59 = arith.constant 0 : i32
    %dma_start3A_60 = tpu.memref_slice %arg7[%dma_start3A_55, %dma_start3A_59] : memref<4x128xi32, #tpu.memory_space<vmem>> -> memref<1x128xi32, #tpu.memory_space<vmem>>
    %dma_start3A_61 = tpu.memref_squeeze %dma_start3A_60 : memref<1x128xi32, #tpu.memory_space<vmem>> -> memref<128xi32, #tpu.memory_space<vmem>>
    %dma_start3A_62 = arith.constant 0 : i32
    %dma_start3A_63 = arith.constant 0 : i32
    %dma_start3A_64 = tpu.memref_slice %arg4[%dma_start3A_62, %dma_start3A_63] : memref<1000000x128xi32, #tpu.memory_space<hbm>> -> memref<1000000x128xi32, #tpu.memory_space<hbm>>
    tpu.enqueue_indirect_dma source(%dma_start3A_64 : memref<1000000x128xi32, #tpu.memory_space<hbm>>) target(%dma_start3A_58 : memref<128x128xi32, #tpu.memory_space<vmem>>) offsets(%dma_start3A_61 : memref<128xi32, #tpu.memory_space<vmem>>) semaphore(%arg10 : memref<!tpu.dma_semaphore, #tpu.memory_space<semaphore_mem>>)
    %dma_wait3A = arith.constant 0 : i32
    %dma_wait3A_65 = arith.constant 0 : i32
    %dma_wait3A_66 = arith.constant 0 : i32
    %dma_wait3A_67 = tpu.memref_slice %arg9[%dma_wait3A_65, %dma_wait3A_66] : memref<512x128xi32, #tpu.memory_space<vmem>> -> memref<128x128xi32, #tpu.memory_space<vmem>>
    %dma_wait3A_68 = arith.constant 0 : i32
    %dma_wait3A_69 = tpu.memref_slice %arg7[%dma_wait3A, %dma_wait3A_68] : memref<4x128xi32, #tpu.memory_space<vmem>> -> memref<1x128xi32, #tpu.memory_space<vmem>>
    %dma_wait3A_70 = tpu.memref_squeeze %dma_wait3A_69 : memref<1x128xi32, #tpu.memory_space<vmem>> -> memref<128xi32, #tpu.memory_space<vmem>>
    %dma_wait3A_71 = arith.constant 0 : i32
    %dma_wait3A_72 = arith.constant 0 : i32
    %dma_wait3A_73 = tpu.memref_slice %arg4[%dma_wait3A_71, %dma_wait3A_72] : memref<1000000x128xi32, #tpu.memory_space<hbm>> -> memref<1000000x128xi32, #tpu.memory_space<hbm>>
    tpu.wait_indirect_dma semaphore(%arg10 : memref<!tpu.dma_semaphore, #tpu.memory_space<semaphore_mem>>) src(%dma_wait3A_73 : memref<1000000x128xi32, #tpu.memory_space<hbm>>) dst(%dma_wait3A_67 : memref<128x128xi32, #tpu.memory_space<vmem>>)
    %dma_wait3A_74 = arith.constant 1 : i32
    %dma_wait3A_75 = arith.constant 128 : i32
    %dma_wait3A_76 = arith.constant 0 : i32
    %dma_wait3A_77 = tpu.memref_slice %arg9[%dma_wait3A_75, %dma_wait3A_76] : memref<512x128xi32, #tpu.memory_space<vmem>> -> memref<128x128xi32, #tpu.memory_space<vmem>>
    %dma_wait3A_78 = arith.constant 0 : i32
    %dma_wait3A_79 = tpu.memref_slice %arg7[%dma_wait3A_74, %dma_wait3A_78] : memref<4x128xi32, #tpu.memory_space<vmem>> -> memref<1x128xi32, #tpu.memory_space<vmem>>
    %dma_wait3A_80 = tpu.memref_squeeze %dma_wait3A_79 : memref<1x128xi32, #tpu.memory_space<vmem>> -> memref<128xi32, #tpu.memory_space<vmem>>
    %dma_wait3A_81 = arith.constant 0 : i32
    %dma_wait3A_82 = arith.constant 0 : i32
    %dma_wait3A_83 = tpu.memref_slice %arg4[%dma_wait3A_81, %dma_wait3A_82] : memref<1000000x128xi32, #tpu.memory_space<hbm>> -> memref<1000000x128xi32, #tpu.memory_space<hbm>>
    tpu.wait_indirect_dma semaphore(%arg10 : memref<!tpu.dma_semaphore, #tpu.memory_space<semaphore_mem>>) src(%dma_wait3A_83 : memref<1000000x128xi32, #tpu.memory_space<hbm>>) dst(%dma_wait3A_77 : memref<128x128xi32, #tpu.memory_space<vmem>>)
    %dma_wait3A_84 = arith.constant 2 : i32
    %dma_wait3A_85 = arith.constant 256 : i32
    %dma_wait3A_86 = arith.constant 0 : i32
    %dma_wait3A_87 = tpu.memref_slice %arg9[%dma_wait3A_85, %dma_wait3A_86] : memref<512x128xi32, #tpu.memory_space<vmem>> -> memref<128x128xi32, #tpu.memory_space<vmem>>
    %dma_wait3A_88 = arith.constant 0 : i32
    %dma_wait3A_89 = tpu.memref_slice %arg7[%dma_wait3A_84, %dma_wait3A_88] : memref<4x128xi32, #tpu.memory_space<vmem>> -> memref<1x128xi32, #tpu.memory_space<vmem>>
    %dma_wait3A_90 = tpu.memref_squeeze %dma_wait3A_89 : memref<1x128xi32, #tpu.memory_space<vmem>> -> memref<128xi32, #tpu.memory_space<vmem>>
    %dma_wait3A_91 = arith.constant 0 : i32
    %dma_wait3A_92 = arith.constant 0 : i32
    %dma_wait3A_93 = tpu.memref_slice %arg4[%dma_wait3A_91, %dma_wait3A_92] : memref<1000000x128xi32, #tpu.memory_space<hbm>> -> memref<1000000x128xi32, #tpu.memory_space<hbm>>
    tpu.wait_indirect_dma semaphore(%arg10 : memref<!tpu.dma_semaphore, #tpu.memory_space<semaphore_mem>>) src(%dma_wait3A_93 : memref<1000000x128xi32, #tpu.memory_space<hbm>>) dst(%dma_wait3A_87 : memref<128x128xi32, #tpu.memory_space<vmem>>)
    %dma_wait3A_94 = arith.constant 3 : i32
    %dma_wait3A_95 = arith.constant 384 : i32
    %dma_wait3A_96 = arith.constant 0 : i32
    %dma_wait3A_97 = tpu.memref_slice %arg9[%dma_wait3A_95, %dma_wait3A_96] : memref<512x128xi32, #tpu.memory_space<vmem>> -> memref<128x128xi32, #tpu.memory_space<vmem>>
    %dma_wait3A_98 = arith.constant 0 : i32
    %dma_wait3A_99 = tpu.memref_slice %arg7[%dma_wait3A_94, %dma_wait3A_98] : memref<4x128xi32, #tpu.memory_space<vmem>> -> memref<1x128xi32, #tpu.memory_space<vmem>>
    %dma_wait3A_100 = tpu.memref_squeeze %dma_wait3A_99 : memref<1x128xi32, #tpu.memory_space<vmem>> -> memref<128xi32, #tpu.memory_space<vmem>>
    %dma_wait3A_101 = arith.constant 0 : i32
    %dma_wait3A_102 = arith.constant 0 : i32
    %dma_wait3A_103 = tpu.memref_slice %arg4[%dma_wait3A_101, %dma_wait3A_102] : memref<1000000x128xi32, #tpu.memory_space<hbm>> -> memref<1000000x128xi32, #tpu.memory_space<hbm>>
    tpu.wait_indirect_dma semaphore(%arg10 : memref<!tpu.dma_semaphore, #tpu.memory_space<semaphore_mem>>) src(%dma_wait3A_103 : memref<1000000x128xi32, #tpu.memory_space<hbm>>) dst(%dma_wait3A_97 : memref<128x128xi32, #tpu.memory_space<vmem>>)
    "tpu.region"() ({
      %run_scoped3A_184 = tpu.sem_alloc : memref<!tpu.dma_semaphore, #tpu.memory_space<semaphore_mem>>
      %dma_start3A_185 = arith.constant 0 : i32
      %dma_start3A_186 = tpu.memref_slice %arg5[%mul3A_2, %dma_start3A_185] : memref<16384x128xi32, #tpu.memory_space<hbm>> -> memref<512x128xi32, #tpu.memory_space<hbm>>
      %dma_start3A_187 = arith.constant 0 : i32
      %dma_start3A_188 = tpu.memref_slice %arg5[%mul3A_2, %dma_start3A_187] : memref<16384x128xi32, #tpu.memory_space<hbm>> -> memref<512x128xi32, #tpu.memory_space<hbm>>
      tpu.enqueue_dma source(%arg9 : memref<512x128xi32, #tpu.memory_space<vmem>>) target(%dma_start3A_188 : memref<512x128xi32, #tpu.memory_space<hbm>>) target_semaphore(%run_scoped3A_184 : memref<!tpu.dma_semaphore, #tpu.memory_space<semaphore_mem>>)
      %dma_wait3A_189 = arith.constant 0 : i32
      %dma_wait3A_190 = tpu.memref_slice %arg5[%mul3A_2, %dma_wait3A_189] : memref<16384x128xi32, #tpu.memory_space<hbm>> -> memref<512x128xi32, #tpu.memory_space<hbm>>
      %dma_wait3A_191 = arith.constant 0 : i32
      %dma_wait3A_192 = tpu.memref_slice %arg5[%mul3A_2, %dma_wait3A_191] : memref<16384x128xi32, #tpu.memory_space<hbm>> -> memref<512x128xi32, #tpu.memory_space<hbm>>
      tpu.wait_dma2 semaphore(%run_scoped3A_184 : memref<!tpu.dma_semaphore, #tpu.memory_space<semaphore_mem>>) src(%arg9 : memref<512x128xi32, #tpu.memory_space<vmem>>) dst(%dma_wait3A_192 : memref<512x128xi32, #tpu.memory_space<hbm>>)
      tpu.yield
    }) : () -> ()
    %dma_start3A_104 = arith.constant 0 : i32
    %dma_start3A_105 = arith.constant 0 : i32
    %dma_start3A_106 = arith.constant 0 : i32
    %dma_start3A_107 = tpu.memref_slice %arg9[%dma_start3A_105, %dma_start3A_106] : memref<512x128xi32, #tpu.memory_space<vmem>> -> memref<128x128xi32, #tpu.memory_space<vmem>>
    %dma_start3A_108 = arith.constant 0 : i32
    %dma_start3A_109 = tpu.memref_slice %arg8[%dma_start3A_104, %dma_start3A_108] : memref<4x128xi32, #tpu.memory_space<vmem>> -> memref<1x128xi32, #tpu.memory_space<vmem>>
    %dma_start3A_110 = tpu.memref_squeeze %dma_start3A_109 : memref<1x128xi32, #tpu.memory_space<vmem>> -> memref<128xi32, #tpu.memory_space<vmem>>
    %dma_start3A_111 = arith.constant 0 : i32
    %dma_start3A_112 = arith.constant 0 : i32
    %dma_start3A_113 = tpu.memref_slice %arg4[%dma_start3A_111, %dma_start3A_112] : memref<1000000x128xi32, #tpu.memory_space<hbm>> -> memref<1000000x128xi32, #tpu.memory_space<hbm>>
    tpu.enqueue_indirect_dma source(%dma_start3A_113 : memref<1000000x128xi32, #tpu.memory_space<hbm>>) target(%dma_start3A_107 : memref<128x128xi32, #tpu.memory_space<vmem>>) offsets(%dma_start3A_110 : memref<128xi32, #tpu.memory_space<vmem>>) semaphore(%arg10 : memref<!tpu.dma_semaphore, #tpu.memory_space<semaphore_mem>>)
    %dma_start3A_114 = arith.constant 1 : i32
    %dma_start3A_115 = arith.constant 128 : i32
    %dma_start3A_116 = arith.constant 0 : i32
    %dma_start3A_117 = tpu.memref_slice %arg9[%dma_start3A_115, %dma_start3A_116] : memref<512x128xi32, #tpu.memory_space<vmem>> -> memref<128x128xi32, #tpu.memory_space<vmem>>
    %dma_start3A_118 = arith.constant 0 : i32
    %dma_start3A_119 = tpu.memref_slice %arg8[%dma_start3A_114, %dma_start3A_118] : memref<4x128xi32, #tpu.memory_space<vmem>> -> memref<1x128xi32, #tpu.memory_space<vmem>>
    %dma_start3A_120 = tpu.memref_squeeze %dma_start3A_119 : memref<1x128xi32, #tpu.memory_space<vmem>> -> memref<128xi32, #tpu.memory_space<vmem>>
    %dma_start3A_121 = arith.constant 0 : i32
    %dma_start3A_122 = arith.constant 0 : i32
    %dma_start3A_123 = tpu.memref_slice %arg4[%dma_start3A_121, %dma_start3A_122] : memref<1000000x128xi32, #tpu.memory_space<hbm>> -> memref<1000000x128xi32, #tpu.memory_space<hbm>>
    tpu.enqueue_indirect_dma source(%dma_start3A_123 : memref<1000000x128xi32, #tpu.memory_space<hbm>>) target(%dma_start3A_117 : memref<128x128xi32, #tpu.memory_space<vmem>>) offsets(%dma_start3A_120 : memref<128xi32, #tpu.memory_space<vmem>>) semaphore(%arg10 : memref<!tpu.dma_semaphore, #tpu.memory_space<semaphore_mem>>)
    %dma_start3A_124 = arith.constant 2 : i32
    %dma_start3A_125 = arith.constant 256 : i32
    %dma_start3A_126 = arith.constant 0 : i32
    %dma_start3A_127 = tpu.memref_slice %arg9[%dma_start3A_125, %dma_start3A_126] : memref<512x128xi32, #tpu.memory_space<vmem>> -> memref<128x128xi32, #tpu.memory_space<vmem>>
    %dma_start3A_128 = arith.constant 0 : i32
    %dma_start3A_129 = tpu.memref_slice %arg8[%dma_start3A_124, %dma_start3A_128] : memref<4x128xi32, #tpu.memory_space<vmem>> -> memref<1x128xi32, #tpu.memory_space<vmem>>
    %dma_start3A_130 = tpu.memref_squeeze %dma_start3A_129 : memref<1x128xi32, #tpu.memory_space<vmem>> -> memref<128xi32, #tpu.memory_space<vmem>>
    %dma_start3A_131 = arith.constant 0 : i32
    %dma_start3A_132 = arith.constant 0 : i32
    %dma_start3A_133 = tpu.memref_slice %arg4[%dma_start3A_131, %dma_start3A_132] : memref<1000000x128xi32, #tpu.memory_space<hbm>> -> memref<1000000x128xi32, #tpu.memory_space<hbm>>
    tpu.enqueue_indirect_dma source(%dma_start3A_133 : memref<1000000x128xi32, #tpu.memory_space<hbm>>) target(%dma_start3A_127 : memref<128x128xi32, #tpu.memory_space<vmem>>) offsets(%dma_start3A_130 : memref<128xi32, #tpu.memory_space<vmem>>) semaphore(%arg10 : memref<!tpu.dma_semaphore, #tpu.memory_space<semaphore_mem>>)
    %dma_start3A_134 = arith.constant 3 : i32
    %dma_start3A_135 = arith.constant 384 : i32
    %dma_start3A_136 = arith.constant 0 : i32
    %dma_start3A_137 = tpu.memref_slice %arg9[%dma_start3A_135, %dma_start3A_136] : memref<512x128xi32, #tpu.memory_space<vmem>> -> memref<128x128xi32, #tpu.memory_space<vmem>>
    %dma_start3A_138 = arith.constant 0 : i32
    %dma_start3A_139 = tpu.memref_slice %arg8[%dma_start3A_134, %dma_start3A_138] : memref<4x128xi32, #tpu.memory_space<vmem>> -> memref<1x128xi32, #tpu.memory_space<vmem>>
    %dma_start3A_140 = tpu.memref_squeeze %dma_start3A_139 : memref<1x128xi32, #tpu.memory_space<vmem>> -> memref<128xi32, #tpu.memory_space<vmem>>
    %dma_start3A_141 = arith.constant 0 : i32
    %dma_start3A_142 = arith.constant 0 : i32
    %dma_start3A_143 = tpu.memref_slice %arg4[%dma_start3A_141, %dma_start3A_142] : memref<1000000x128xi32, #tpu.memory_space<hbm>> -> memref<1000000x128xi32, #tpu.memory_space<hbm>>
    tpu.enqueue_indirect_dma source(%dma_start3A_143 : memref<1000000x128xi32, #tpu.memory_space<hbm>>) target(%dma_start3A_137 : memref<128x128xi32, #tpu.memory_space<vmem>>) offsets(%dma_start3A_140 : memref<128xi32, #tpu.memory_space<vmem>>) semaphore(%arg10 : memref<!tpu.dma_semaphore, #tpu.memory_space<semaphore_mem>>)
    %dma_wait3A_144 = arith.constant 0 : i32
    %dma_wait3A_145 = arith.constant 0 : i32
    %dma_wait3A_146 = arith.constant 0 : i32
    %dma_wait3A_147 = tpu.memref_slice %arg9[%dma_wait3A_145, %dma_wait3A_146] : memref<512x128xi32, #tpu.memory_space<vmem>> -> memref<128x128xi32, #tpu.memory_space<vmem>>
    %dma_wait3A_148 = arith.constant 0 : i32
    %dma_wait3A_149 = tpu.memref_slice %arg8[%dma_wait3A_144, %dma_wait3A_148] : memref<4x128xi32, #tpu.memory_space<vmem>> -> memref<1x128xi32, #tpu.memory_space<vmem>>
    %dma_wait3A_150 = tpu.memref_squeeze %dma_wait3A_149 : memref<1x128xi32, #tpu.memory_space<vmem>> -> memref<128xi32, #tpu.memory_space<vmem>>
    %dma_wait3A_151 = arith.constant 0 : i32
    %dma_wait3A_152 = arith.constant 0 : i32
    %dma_wait3A_153 = tpu.memref_slice %arg4[%dma_wait3A_151, %dma_wait3A_152] : memref<1000000x128xi32, #tpu.memory_space<hbm>> -> memref<1000000x128xi32, #tpu.memory_space<hbm>>
    tpu.wait_indirect_dma semaphore(%arg10 : memref<!tpu.dma_semaphore, #tpu.memory_space<semaphore_mem>>) src(%dma_wait3A_153 : memref<1000000x128xi32, #tpu.memory_space<hbm>>) dst(%dma_wait3A_147 : memref<128x128xi32, #tpu.memory_space<vmem>>)
    %dma_wait3A_154 = arith.constant 1 : i32
    %dma_wait3A_155 = arith.constant 128 : i32
    %dma_wait3A_156 = arith.constant 0 : i32
    %dma_wait3A_157 = tpu.memref_slice %arg9[%dma_wait3A_155, %dma_wait3A_156] : memref<512x128xi32, #tpu.memory_space<vmem>> -> memref<128x128xi32, #tpu.memory_space<vmem>>
    %dma_wait3A_158 = arith.constant 0 : i32
    %dma_wait3A_159 = tpu.memref_slice %arg8[%dma_wait3A_154, %dma_wait3A_158] : memref<4x128xi32, #tpu.memory_space<vmem>> -> memref<1x128xi32, #tpu.memory_space<vmem>>
    %dma_wait3A_160 = tpu.memref_squeeze %dma_wait3A_159 : memref<1x128xi32, #tpu.memory_space<vmem>> -> memref<128xi32, #tpu.memory_space<vmem>>
    %dma_wait3A_161 = arith.constant 0 : i32
    %dma_wait3A_162 = arith.constant 0 : i32
    %dma_wait3A_163 = tpu.memref_slice %arg4[%dma_wait3A_161, %dma_wait3A_162] : memref<1000000x128xi32, #tpu.memory_space<hbm>> -> memref<1000000x128xi32, #tpu.memory_space<hbm>>
    tpu.wait_indirect_dma semaphore(%arg10 : memref<!tpu.dma_semaphore, #tpu.memory_space<semaphore_mem>>) src(%dma_wait3A_163 : memref<1000000x128xi32, #tpu.memory_space<hbm>>) dst(%dma_wait3A_157 : memref<128x128xi32, #tpu.memory_space<vmem>>)
    %dma_wait3A_164 = arith.constant 2 : i32
    %dma_wait3A_165 = arith.constant 256 : i32
    %dma_wait3A_166 = arith.constant 0 : i32
    %dma_wait3A_167 = tpu.memref_slice %arg9[%dma_wait3A_165, %dma_wait3A_166] : memref<512x128xi32, #tpu.memory_space<vmem>> -> memref<128x128xi32, #tpu.memory_space<vmem>>
    %dma_wait3A_168 = arith.constant 0 : i32
    %dma_wait3A_169 = tpu.memref_slice %arg8[%dma_wait3A_164, %dma_wait3A_168] : memref<4x128xi32, #tpu.memory_space<vmem>> -> memref<1x128xi32, #tpu.memory_space<vmem>>
    %dma_wait3A_170 = tpu.memref_squeeze %dma_wait3A_169 : memref<1x128xi32, #tpu.memory_space<vmem>> -> memref<128xi32, #tpu.memory_space<vmem>>
    %dma_wait3A_171 = arith.constant 0 : i32
    %dma_wait3A_172 = arith.constant 0 : i32
    %dma_wait3A_173 = tpu.memref_slice %arg4[%dma_wait3A_171, %dma_wait3A_172] : memref<1000000x128xi32, #tpu.memory_space<hbm>> -> memref<1000000x128xi32, #tpu.memory_space<hbm>>
    tpu.wait_indirect_dma semaphore(%arg10 : memref<!tpu.dma_semaphore, #tpu.memory_space<semaphore_mem>>) src(%dma_wait3A_173 : memref<1000000x128xi32, #tpu.memory_space<hbm>>) dst(%dma_wait3A_167 : memref<128x128xi32, #tpu.memory_space<vmem>>)
    %dma_wait3A_174 = arith.constant 3 : i32
    %dma_wait3A_175 = arith.constant 384 : i32
    %dma_wait3A_176 = arith.constant 0 : i32
    %dma_wait3A_177 = tpu.memref_slice %arg9[%dma_wait3A_175, %dma_wait3A_176] : memref<512x128xi32, #tpu.memory_space<vmem>> -> memref<128x128xi32, #tpu.memory_space<vmem>>
    %dma_wait3A_178 = arith.constant 0 : i32
    %dma_wait3A_179 = tpu.memref_slice %arg8[%dma_wait3A_174, %dma_wait3A_178] : memref<4x128xi32, #tpu.memory_space<vmem>> -> memref<1x128xi32, #tpu.memory_space<vmem>>
    %dma_wait3A_180 = tpu.memref_squeeze %dma_wait3A_179 : memref<1x128xi32, #tpu.memory_space<vmem>> -> memref<128xi32, #tpu.memory_space<vmem>>
    %dma_wait3A_181 = arith.constant 0 : i32
    %dma_wait3A_182 = arith.constant 0 : i32
    %dma_wait3A_183 = tpu.memref_slice %arg4[%dma_wait3A_181, %dma_wait3A_182] : memref<1000000x128xi32, #tpu.memory_space<hbm>> -> memref<1000000x128xi32, #tpu.memory_space<hbm>>
    tpu.wait_indirect_dma semaphore(%arg10 : memref<!tpu.dma_semaphore, #tpu.memory_space<semaphore_mem>>) src(%dma_wait3A_183 : memref<1000000x128xi32, #tpu.memory_space<hbm>>) dst(%dma_wait3A_177 : memref<128x128xi32, #tpu.memory_space<vmem>>)
    "tpu.region"() ({
      %run_scoped3A_184 = tpu.sem_alloc : memref<!tpu.dma_semaphore, #tpu.memory_space<semaphore_mem>>
      %dma_start3A_185 = arith.constant 0 : i32
      %dma_start3A_186 = tpu.memref_slice %arg6[%mul3A_2, %dma_start3A_185] : memref<16384x128xi32, #tpu.memory_space<hbm>> -> memref<512x128xi32, #tpu.memory_space<hbm>>
      %dma_start3A_187 = arith.constant 0 : i32
      %dma_start3A_188 = tpu.memref_slice %arg6[%mul3A_2, %dma_start3A_187] : memref<16384x128xi32, #tpu.memory_space<hbm>> -> memref<512x128xi32, #tpu.memory_space<hbm>>
      tpu.enqueue_dma source(%arg9 : memref<512x128xi32, #tpu.memory_space<vmem>>) target(%dma_start3A_188 : memref<512x128xi32, #tpu.memory_space<hbm>>) target_semaphore(%run_scoped3A_184 : memref<!tpu.dma_semaphore, #tpu.memory_space<semaphore_mem>>)
      %dma_wait3A_189 = arith.constant 0 : i32
      %dma_wait3A_190 = tpu.memref_slice %arg6[%mul3A_2, %dma_wait3A_189] : memref<16384x128xi32, #tpu.memory_space<hbm>> -> memref<512x128xi32, #tpu.memory_space<hbm>>
      %dma_wait3A_191 = arith.constant 0 : i32
      %dma_wait3A_192 = tpu.memref_slice %arg6[%mul3A_2, %dma_wait3A_191] : memref<16384x128xi32, #tpu.memory_space<hbm>> -> memref<512x128xi32, #tpu.memory_space<hbm>>
      tpu.wait_dma2 semaphore(%run_scoped3A_184 : memref<!tpu.dma_semaphore, #tpu.memory_space<semaphore_mem>>) src(%arg9 : memref<512x128xi32, #tpu.memory_space<vmem>>) dst(%dma_wait3A_192 : memref<512x128xi32, #tpu.memory_space<hbm>>)
      tpu.yield
    }) : () -> ()
    return
  }
}

module attributes {stable_mosaic.version = 14 : i64} {
  func.func @_tr_body(%arg0: i32, %arg1: memref<64x8192xf32, #tpu.memory_space<vmem>>, %arg2: memref<64x8192xf32, #tpu.memory_space<vmem>>, %arg3: memref<64x8192xf32, #tpu.memory_space<vmem>>, %arg4: memref<64x8192xf32, #tpu.memory_space<vmem>>, %arg5: memref<8192x128xi32, #tpu.memory_space<vmem>>) attributes {dimension_semantics = [#tpu.dimension_semantics<arbitrary>], iteration_bounds = array<i64: 123>, scalar_prefetch = 0 : i64, scratch_operands = 0 : i64, tpu.core_type = #tpu.core_type<tc>, window_params = [{transform_indices = @transform_0, window_bounds = array<i64: 64, 8192>}, {transform_indices = @transform_1, window_bounds = array<i64: 64, 8192>}, {transform_indices = @transform_2, window_bounds = array<i64: 64, 8192>}, {transform_indices = @transform_3, window_bounds = array<i64: 64, 8192>}, {transform_indices = @transform_4, window_bounds = array<i64: 8192, 128>}]} {
    %get3A = arith.constant 0 : index
    %get3A_0 = arith.constant 0 : index
    %get3A_1 = vector.load %arg1[%get3A, %get3A_0] : memref<64x8192xf32, #tpu.memory_space<vmem>>, vector<64x8192xf32>
    %transpose3A = tpu.transpose %get3A_1, [1, 0] : vector<64x8192xf32> -> vector<8192x64xf32>
    %bitcast_convert_type3A = tpu.bitcast %transpose3A : vector<8192x64xf32> -> vector<8192x64xi32>
    %add3A = arith.constant 32767 : i32
    %add3A_2 = vector.broadcast %add3A : i32 to vector<8192x64xi32>
    %add3A_3 = arith.addi %bitcast_convert_type3A, %add3A_2 : vector<8192x64xi32>
    %shift_right_arithmetic3A = arith.constant 16 : i32
    %shift_right_arithmetic3A_4 = vector.broadcast %shift_right_arithmetic3A : i32 to vector<8192x64xi32>
    %shift_right_arithmetic3A_5 = arith.shrsi %bitcast_convert_type3A, %shift_right_arithmetic3A_4 : vector<8192x64xi32>
    %and3A = arith.constant 1 : i32
    %and3A_6 = vector.broadcast %and3A : i32 to vector<8192x64xi32>
    %and3A_7 = arith.andi %shift_right_arithmetic3A_5, %and3A_6 : vector<8192x64xi32>
    %add3A_8 = arith.addi %add3A_3, %and3A_7 : vector<8192x64xi32>
    %and3A_9 = arith.constant -65536 : i32
    %and3A_10 = vector.broadcast %and3A_9 : i32 to vector<8192x64xi32>
    %and3A_11 = arith.andi %add3A_8, %and3A_10 : vector<8192x64xi32>
    %get3A_12 = arith.constant 0 : index
    %get3A_13 = arith.constant 0 : index
    %get3A_14 = vector.load %arg2[%get3A_12, %get3A_13] : memref<64x8192xf32, #tpu.memory_space<vmem>>, vector<64x8192xf32>
    %transpose3A_15 = tpu.transpose %get3A_14, [1, 0] : vector<64x8192xf32> -> vector<8192x64xf32>
    %bitcast_convert_type3A_16 = tpu.bitcast %transpose3A_15 : vector<8192x64xf32> -> vector<8192x64xi32>
    %add3A_17 = arith.constant 32767 : i32
    %add3A_18 = vector.broadcast %add3A_17 : i32 to vector<8192x64xi32>
    %add3A_19 = arith.addi %bitcast_convert_type3A_16, %add3A_18 : vector<8192x64xi32>
    %shift_right_arithmetic3A_20 = arith.constant 16 : i32
    %shift_right_arithmetic3A_21 = vector.broadcast %shift_right_arithmetic3A_20 : i32 to vector<8192x64xi32>
    %shift_right_arithmetic3A_22 = arith.shrsi %bitcast_convert_type3A_16, %shift_right_arithmetic3A_21 : vector<8192x64xi32>
    %and3A_23 = arith.constant 1 : i32
    %and3A_24 = vector.broadcast %and3A_23 : i32 to vector<8192x64xi32>
    %and3A_25 = arith.andi %shift_right_arithmetic3A_22, %and3A_24 : vector<8192x64xi32>
    %add3A_26 = arith.addi %add3A_19, %and3A_25 : vector<8192x64xi32>
    %and3A_27 = arith.constant -65536 : i32
    %and3A_28 = vector.broadcast %and3A_27 : i32 to vector<8192x64xi32>
    %and3A_29 = arith.andi %add3A_26, %and3A_28 : vector<8192x64xi32>
    %shift_right_logical3A = arith.constant 16 : i32
    %shift_right_logical3A_30 = vector.broadcast %shift_right_logical3A : i32 to vector<8192x64xi32>
    %shift_right_logical3A_31 = arith.shrui %and3A_29, %shift_right_logical3A_30 : vector<8192x64xi32>
    %or3A = arith.ori %and3A_11, %shift_right_logical3A_31 : vector<8192x64xi32>
    %swap3A = arith.constant 0 : index
    %swap3A_32 = arith.constant 0 : index
    %swap3A_33 = vector.load %arg5[%swap3A, %swap3A_32] : memref<8192x128xi32, #tpu.memory_space<vmem>>, vector<8192x64xi32>
    tpu.vector_store %arg5[%swap3A, %swap3A_32], %or3A {strides = array<i32>} : memref<8192x128xi32, #tpu.memory_space<vmem>>, vector<8192x64xi32>,
    %get3A_34 = arith.constant 0 : index
    %get3A_35 = arith.constant 0 : index
    %get3A_36 = vector.load %arg3[%get3A_34, %get3A_35] : memref<64x8192xf32, #tpu.memory_space<vmem>>, vector<64x8192xf32>
    %transpose3A_37 = tpu.transpose %get3A_36, [1, 0] : vector<64x8192xf32> -> vector<8192x64xf32>
    %bitcast_convert_type3A_38 = tpu.bitcast %transpose3A_37 : vector<8192x64xf32> -> vector<8192x64xi32>
    %add3A_39 = arith.constant 32767 : i32
    %add3A_40 = vector.broadcast %add3A_39 : i32 to vector<8192x64xi32>
    %add3A_41 = arith.addi %bitcast_convert_type3A_38, %add3A_40 : vector<8192x64xi32>
    %shift_right_arithmetic3A_42 = arith.constant 16 : i32
    %shift_right_arithmetic3A_43 = vector.broadcast %shift_right_arithmetic3A_42 : i32 to vector<8192x64xi32>
    %shift_right_arithmetic3A_44 = arith.shrsi %bitcast_convert_type3A_38, %shift_right_arithmetic3A_43 : vector<8192x64xi32>
    %and3A_45 = arith.constant 1 : i32
    %and3A_46 = vector.broadcast %and3A_45 : i32 to vector<8192x64xi32>
    %and3A_47 = arith.andi %shift_right_arithmetic3A_44, %and3A_46 : vector<8192x64xi32>
    %add3A_48 = arith.addi %add3A_41, %and3A_47 : vector<8192x64xi32>
    %and3A_49 = arith.constant -65536 : i32
    %and3A_50 = vector.broadcast %and3A_49 : i32 to vector<8192x64xi32>
    %and3A_51 = arith.andi %add3A_48, %and3A_50 : vector<8192x64xi32>
    %get3A_52 = arith.constant 0 : index
    %get3A_53 = arith.constant 0 : index
    %get3A_54 = vector.load %arg4[%get3A_52, %get3A_53] : memref<64x8192xf32, #tpu.memory_space<vmem>>, vector<64x8192xf32>
    %transpose3A_55 = tpu.transpose %get3A_54, [1, 0] : vector<64x8192xf32> -> vector<8192x64xf32>
    %bitcast_convert_type3A_56 = tpu.bitcast %transpose3A_55 : vector<8192x64xf32> -> vector<8192x64xi32>
    %add3A_57 = arith.constant 32767 : i32
    %add3A_58 = vector.broadcast %add3A_57 : i32 to vector<8192x64xi32>
    %add3A_59 = arith.addi %bitcast_convert_type3A_56, %add3A_58 : vector<8192x64xi32>
    %shift_right_arithmetic3A_60 = arith.constant 16 : i32
    %shift_right_arithmetic3A_61 = vector.broadcast %shift_right_arithmetic3A_60 : i32 to vector<8192x64xi32>
    %shift_right_arithmetic3A_62 = arith.shrsi %bitcast_convert_type3A_56, %shift_right_arithmetic3A_61 : vector<8192x64xi32>
    %and3A_63 = arith.constant 1 : i32
    %and3A_64 = vector.broadcast %and3A_63 : i32 to vector<8192x64xi32>
    %and3A_65 = arith.andi %shift_right_arithmetic3A_62, %and3A_64 : vector<8192x64xi32>
    %add3A_66 = arith.addi %add3A_59, %and3A_65 : vector<8192x64xi32>
    %and3A_67 = arith.constant -65536 : i32
    %and3A_68 = vector.broadcast %and3A_67 : i32 to vector<8192x64xi32>
    %and3A_69 = arith.andi %add3A_66, %and3A_68 : vector<8192x64xi32>
    %shift_right_logical3A_70 = arith.constant 16 : i32
    %shift_right_logical3A_71 = vector.broadcast %shift_right_logical3A_70 : i32 to vector<8192x64xi32>
    %shift_right_logical3A_72 = arith.shrui %and3A_69, %shift_right_logical3A_71 : vector<8192x64xi32>
    %or3A_73 = arith.ori %and3A_51, %shift_right_logical3A_72 : vector<8192x64xi32>
    %swap3A_74 = arith.constant 0 : index
    %swap3A_75 = arith.constant 64 : index
    %swap3A_76 = vector.load %arg5[%swap3A_74, %swap3A_75] : memref<8192x128xi32, #tpu.memory_space<vmem>>, vector<8192x64xi32>
    tpu.vector_store %arg5[%swap3A_74, %swap3A_75], %or3A_73 {strides = array<i32>} : memref<8192x128xi32, #tpu.memory_space<vmem>>, vector<8192x64xi32>,
    return
  }
  func.func @transform_0(%arg0: i32) -> (i32, i32) {
    %c0_i32 = arith.constant 0 : i32
    %c0_i32_0 = arith.constant 0 : i32
    return %c0_i32, %arg0 : i32, i32
  }
  func.func @transform_1(%arg0: i32) -> (i32, i32) {
    %c0_i32 = arith.constant 0 : i32
    %c0_i32_0 = arith.constant 0 : i32
    return %c0_i32, %arg0 : i32, i32
  }
  func.func @transform_2(%arg0: i32) -> (i32, i32) {
    %c0_i32 = arith.constant 0 : i32
    %c0_i32_0 = arith.constant 0 : i32
    return %c0_i32, %arg0 : i32, i32
  }
  func.func @transform_3(%arg0: i32) -> (i32, i32) {
    %c0_i32 = arith.constant 0 : i32
    %c0_i32_0 = arith.constant 0 : i32
    return %c0_i32, %arg0 : i32, i32
  }
  func.func @transform_4(%arg0: i32) -> (i32, i32) {
    %c0_i32 = arith.constant 0 : i32
    %c0_i32_0 = arith.constant 0 : i32
    return %arg0, %c0_i32 : i32, i32
  }
}

module attributes {stable_mosaic.version = 14 : i64} {
  func.func @_mlp_body(%arg0: i32, %arg1: memref<2048x128xi32, #tpu.memory_space<vmem>>, %arg2: memref<2048x128xi32, #tpu.memory_space<vmem>>, %arg3: memref<64x64xf32, #tpu.memory_space<vmem>>, %arg4: memref<64x64xf32, #tpu.memory_space<vmem>>, %arg5: memref<1x64xf32, #tpu.memory_space<vmem>>, %arg6: memref<64x64xf32, #tpu.memory_space<vmem>>, %arg7: memref<1x64xf32, #tpu.memory_space<vmem>>, %arg8: memref<64x32xf32, #tpu.memory_space<vmem>>, %arg9: memref<1x32xf32, #tpu.memory_space<vmem>>, %arg10: memref<64x32xf32, #tpu.memory_space<vmem>>, %arg11: memref<1x32xf32, #tpu.memory_space<vmem>>, %arg12: memref<1x64xf32, #tpu.memory_space<vmem>>, %arg13: memref<1x1xf32, #tpu.memory_space<vmem>>, %arg14: memref<2048x1xf32, #tpu.memory_space<vmem>>) attributes {dimension_semantics = [#tpu.dimension_semantics<arbitrary>], iteration_bounds = array<i64: 8>, scalar_prefetch = 0 : i64, scratch_operands = 0 : i64, tpu.core_type = #tpu.core_type<tc>, window_params = [{transform_indices = @transform_0, window_bounds = array<i64: 2048, 128>}, {transform_indices = @transform_1, window_bounds = array<i64: 2048, 128>}, {pipeline_mode = #tpu.pipeline_mode<synchronous>, transform_indices = @transform_2, window_bounds = array<i64: 64, 64>}, {pipeline_mode = #tpu.pipeline_mode<synchronous>, transform_indices = @transform_3, window_bounds = array<i64: 64, 64>}, {pipeline_mode = #tpu.pipeline_mode<synchronous>, transform_indices = @transform_4, window_bounds = array<i64: 1, 64>}, {pipeline_mode = #tpu.pipeline_mode<synchronous>, transform_indices = @transform_5, window_bounds = array<i64: 64, 64>}, {pipeline_mode = #tpu.pipeline_mode<synchronous>, transform_indices = @transform_6, window_bounds = array<i64: 1, 64>}, {pipeline_mode = #tpu.pipeline_mode<synchronous>, transform_indices = @transform_7, window_bounds = array<i64: 64, 32>}, {pipeline_mode = #tpu.pipeline_mode<synchronous>, transform_indices = @transform_8, window_bounds = array<i64: 1, 32>}, {pipeline_mode = #tpu.pipeline_mode<synchronous>, transform_indices = @transform_9, window_bounds = array<i64: 64, 32>}, {pipeline_mode = #tpu.pipeline_mode<synchronous>, transform_indices = @transform_10, window_bounds = array<i64: 1, 32>}, {pipeline_mode = #tpu.pipeline_mode<synchronous>, transform_indices = @transform_11, window_bounds = array<i64: 1, 64>}, {pipeline_mode = #tpu.pipeline_mode<synchronous>, transform_indices = @transform_12, window_bounds = array<i64: 1, 1>}, {transform_indices = @transform_13, window_bounds = array<i64: 2048, 1>}]} {
    %get3A = arith.constant 0 : index
    %get3A_0 = arith.constant 0 : index
    %get3A_1 = vector.load %arg1[%get3A, %get3A_0] : memref<2048x128xi32, #tpu.memory_space<vmem>>, vector<2048x64xi32>
    %get3A_2 = arith.constant 0 : index
    %get3A_3 = arith.constant 64 : index
    %get3A_4 = vector.load %arg2[%get3A_2, %get3A_3] : memref<2048x128xi32, #tpu.memory_space<vmem>>, vector<2048x64xi32>
    %and3A = arith.constant -65536 : i32
    %and3A_5 = vector.broadcast %and3A : i32 to vector<2048x64xi32>
    %and3A_6 = arith.andi %get3A_1, %and3A_5 : vector<2048x64xi32>
    %bitcast_convert_type3A = tpu.bitcast %and3A_6 : vector<2048x64xi32> -> vector<2048x64xf32>
    %shift_left3A = arith.constant 16 : i32
    %shift_left3A_7 = vector.broadcast %shift_left3A : i32 to vector<2048x64xi32>
    %shift_left3A_8 = arith.shli %get3A_1, %shift_left3A_7 : vector<2048x64xi32>
    %bitcast_convert_type3A_9 = tpu.bitcast %shift_left3A_8 : vector<2048x64xi32> -> vector<2048x64xf32>
    %and3A_10 = arith.constant -65536 : i32
    %and3A_11 = vector.broadcast %and3A_10 : i32 to vector<2048x64xi32>
    %and3A_12 = arith.andi %get3A_4, %and3A_11 : vector<2048x64xi32>
    %bitcast_convert_type3A_13 = tpu.bitcast %and3A_12 : vector<2048x64xi32> -> vector<2048x64xf32>
    %shift_left3A_14 = arith.constant 16 : i32
    %shift_left3A_15 = vector.broadcast %shift_left3A_14 : i32 to vector<2048x64xi32>
    %shift_left3A_16 = arith.shli %get3A_4, %shift_left3A_15 : vector<2048x64xi32>
    %bitcast_convert_type3A_17 = tpu.bitcast %shift_left3A_16 : vector<2048x64xi32> -> vector<2048x64xf32>
    %get3A_18 = arith.constant 0 : index
    %get3A_19 = arith.constant 0 : index
    %get3A_20 = vector.load %arg3[%get3A_18, %get3A_19] : memref<64x64xf32, #tpu.memory_space<vmem>>, vector<64x64xf32>
    %dot_general3A = arith.constant dense<0.000000e+00> : vector<2048x64xf32>
    %dot_general3A_21 = tpu.matmul %bitcast_convert_type3A, %get3A_20, %dot_general3A {dimension_numbers = #tpu.dot_dimension_numbers<[1], [0], [0], [1], [0, 0, 1, 1], [], []>, precision = #tpu.contract_precision<fp32>, transpose_lhs_hint = false} : vector<2048x64xf32>, vector<64x64xf32>, vector<2048x64xf32> -> vector<2048x64xf32>
    %get3A_22 = arith.constant 0 : index
    %get3A_23 = arith.constant 0 : index
    %get3A_24 = vector.load %arg4[%get3A_22, %get3A_23] : memref<64x64xf32, #tpu.memory_space<vmem>>, vector<64x64xf32>
    %dot_general3A_25 = arith.constant dense<0.000000e+00> : vector<2048x64xf32>
    %dot_general3A_26 = tpu.matmul %bitcast_convert_type3A_13, %get3A_24, %dot_general3A_25 {dimension_numbers = #tpu.dot_dimension_numbers<[1], [0], [0], [1], [0, 0, 1, 1], [], []>, precision = #tpu.contract_precision<fp32>, transpose_lhs_hint = false} : vector<2048x64xf32>, vector<64x64xf32>, vector<2048x64xf32> -> vector<2048x64xf32>
    %add3A = arith.addf %dot_general3A_21, %dot_general3A_26 : vector<2048x64xf32>
    %get3A_27 = arith.constant 0 : index
    %get3A_28 = arith.constant 0 : index
    %get3A_29 = vector.load %arg5[%get3A_27, %get3A_28] : memref<1x64xf32, #tpu.memory_space<vmem>>, vector<1x64xf32>
    %add3A_30 = vector.broadcast %get3A_29 : vector<1x64xf32> to vector<2048x64xf32>
    %add3A_31 = arith.addf %add3A, %add3A_30 : vector<2048x64xf32>
    %max3A = arith.constant 0.000000e+00 : f32
    %max3A_32 = vector.broadcast %max3A : f32 to vector<2048x64xf32>
    %max3A_33 = arith.maximumf %add3A_31, %max3A_32 : vector<2048x64xf32>
    %get3A_34 = arith.constant 0 : index
    %get3A_35 = arith.constant 0 : index
    %get3A_36 = vector.load %arg6[%get3A_34, %get3A_35] : memref<64x64xf32, #tpu.memory_space<vmem>>, vector<64x64xf32>
    %dot_general3A_37 = arith.constant dense<0.000000e+00> : vector<2048x64xf32>
    %dot_general3A_38 = tpu.matmul %max3A_33, %get3A_36, %dot_general3A_37 {dimension_numbers = #tpu.dot_dimension_numbers<[1], [0], [0], [1], [0, 0, 1, 1], [], []>, precision = #tpu.contract_precision<fp32>, transpose_lhs_hint = false} : vector<2048x64xf32>, vector<64x64xf32>, vector<2048x64xf32> -> vector<2048x64xf32>
    %get3A_39 = arith.constant 0 : index
    %get3A_40 = arith.constant 0 : index
    %get3A_41 = vector.load %arg7[%get3A_39, %get3A_40] : memref<1x64xf32, #tpu.memory_space<vmem>>, vector<1x64xf32>
    %add3A_42 = vector.broadcast %get3A_41 : vector<1x64xf32> to vector<2048x64xf32>
    %add3A_43 = arith.addf %dot_general3A_38, %add3A_42 : vector<2048x64xf32>
    %max3A_44 = arith.constant 0.000000e+00 : f32
    %max3A_45 = vector.broadcast %max3A_44 : f32 to vector<2048x64xf32>
    %max3A_46 = arith.maximumf %add3A_43, %max3A_45 : vector<2048x64xf32>
    %get3A_47 = arith.constant 0 : index
    %get3A_48 = arith.constant 0 : index
    %get3A_49 = vector.load %arg8[%get3A_47, %get3A_48] : memref<64x32xf32, #tpu.memory_space<vmem>>, vector<64x32xf32>
    %dot_general3A_50 = arith.constant dense<0.000000e+00> : vector<2048x32xf32>
    %dot_general3A_51 = tpu.matmul %max3A_46, %get3A_49, %dot_general3A_50 {dimension_numbers = #tpu.dot_dimension_numbers<[1], [0], [0], [1], [0, 0, 1, 1], [], []>, precision = #tpu.contract_precision<fp32>, transpose_lhs_hint = false} : vector<2048x64xf32>, vector<64x32xf32>, vector<2048x32xf32> -> vector<2048x32xf32>
    %get3A_52 = arith.constant 0 : index
    %get3A_53 = arith.constant 0 : index
    %get3A_54 = vector.load %arg9[%get3A_52, %get3A_53] : memref<1x32xf32, #tpu.memory_space<vmem>>, vector<1x32xf32>
    %add3A_55 = vector.broadcast %get3A_54 : vector<1x32xf32> to vector<2048x32xf32>
    %add3A_56 = arith.addf %dot_general3A_51, %add3A_55 : vector<2048x32xf32>
    %mul3A = arith.mulf %bitcast_convert_type3A_9, %bitcast_convert_type3A_17 : vector<2048x64xf32>
    %get3A_57 = arith.constant 0 : index
    %get3A_58 = arith.constant 0 : index
    %get3A_59 = vector.load %arg10[%get3A_57, %get3A_58] : memref<64x32xf32, #tpu.memory_space<vmem>>, vector<64x32xf32>
    %dot_general3A_60 = arith.constant dense<0.000000e+00> : vector<2048x32xf32>
    %dot_general3A_61 = tpu.matmul %mul3A, %get3A_59, %dot_general3A_60 {dimension_numbers = #tpu.dot_dimension_numbers<[1], [0], [0], [1], [0, 0, 1, 1], [], []>, precision = #tpu.contract_precision<fp32>, transpose_lhs_hint = false} : vector<2048x64xf32>, vector<64x32xf32>, vector<2048x32xf32> -> vector<2048x32xf32>
    %get3A_62 = arith.constant 0 : index
    %get3A_63 = arith.constant 0 : index
    %get3A_64 = vector.load %arg11[%get3A_62, %get3A_63] : memref<1x32xf32, #tpu.memory_space<vmem>>, vector<1x32xf32>
    %add3A_65 = vector.broadcast %get3A_64 : vector<1x32xf32> to vector<2048x32xf32>
    %add3A_66 = arith.addf %dot_general3A_61, %add3A_65 : vector<2048x32xf32>
    %get3A_67 = arith.constant 0 : index
    %get3A_68 = arith.constant 0 : index
    %get3A_69 = vector.load %arg12[%get3A_67, %get3A_68] : memref<1x64xf32, #tpu.memory_space<vmem>>, vector<1x64xf32>
    %slice3A = vector.extract_strided_slice %get3A_69 {offsets = [0, 0], sizes = [1, 32], strides = [1, 1]} : vector<1x64xf32> to vector<1x32xf32>
    %transpose3A = tpu.transpose %slice3A, [1, 0] : vector<1x32xf32> -> vector<32x1xf32>
    %dot_general3A_70 = arith.constant dense<0.000000e+00> : vector<2048x1xf32>
    %dot_general3A_71 = tpu.matmul %add3A_56, %transpose3A, %dot_general3A_70 {dimension_numbers = #tpu.dot_dimension_numbers<[1], [0], [0], [1], [0, 0, 1, 1], [], []>, precision = #tpu.contract_precision<fp32>, transpose_lhs_hint = false} : vector<2048x32xf32>, vector<32x1xf32>, vector<2048x1xf32> -> vector<2048x1xf32>
    %get3A_72 = arith.constant 0 : index
    %get3A_73 = arith.constant 0 : index
    %get3A_74 = vector.load %arg12[%get3A_72, %get3A_73] : memref<1x64xf32, #tpu.memory_space<vmem>>, vector<1x64xf32>
    %slice3A_75 = vector.extract_strided_slice %get3A_74 {offsets = [0, 32], sizes = [1, 32], strides = [1, 1]} : vector<1x64xf32> to vector<1x32xf32>
    %transpose3A_76 = tpu.transpose %slice3A_75, [1, 0] : vector<1x32xf32> -> vector<32x1xf32>
    %dot_general3A_77 = arith.constant dense<0.000000e+00> : vector<2048x1xf32>
    %dot_general3A_78 = tpu.matmul %add3A_66, %transpose3A_76, %dot_general3A_77 {dimension_numbers = #tpu.dot_dimension_numbers<[1], [0], [0], [1], [0, 0, 1, 1], [], []>, precision = #tpu.contract_precision<fp32>, transpose_lhs_hint = false} : vector<2048x32xf32>, vector<32x1xf32>, vector<2048x1xf32> -> vector<2048x1xf32>
    %add3A_79 = arith.addf %dot_general3A_71, %dot_general3A_78 : vector<2048x1xf32>
    %get3A_80 = arith.constant 0 : index
    %get3A_81 = arith.constant 0 : index
    %get3A_82 = vector.load %arg13[%get3A_80, %get3A_81] : memref<1x1xf32, #tpu.memory_space<vmem>>, vector<1x1xf32>
    %add3A_83 = vector.broadcast %get3A_82 : vector<1x1xf32> to vector<2048x1xf32>
    %add3A_84 = arith.addf %add3A_79, %add3A_83 : vector<2048x1xf32>
    %swap3A = arith.constant 0 : index
    %swap3A_85 = arith.constant 0 : index
    %swap3A_86 = vector.load %arg14[%swap3A, %swap3A_85] : memref<2048x1xf32, #tpu.memory_space<vmem>>, vector<2048x1xf32>
    tpu.vector_store %arg14[%swap3A, %swap3A_85], %add3A_84 {strides = array<i32>} : memref<2048x1xf32, #tpu.memory_space<vmem>>, vector<2048x1xf32>,
    return
  }
  func.func @transform_0(%arg0: i32) -> (i32, i32) {
    %c0_i32 = arith.constant 0 : i32
    %c0_i32_0 = arith.constant 0 : i32
    return %arg0, %c0_i32 : i32, i32
  }
  func.func @transform_1(%arg0: i32) -> (i32, i32) {
    %c0_i32 = arith.constant 0 : i32
    %c0_i32_0 = arith.constant 0 : i32
    return %arg0, %c0_i32 : i32, i32
  }
  func.func @transform_2(%arg0: i32) -> (i32, i32) {
    %c0_i32 = arith.constant 0 : i32
    %c0_i32_0 = arith.constant 0 : i32
    %c0_i32_1 = arith.constant 0 : i32
    return %c0_i32, %c0_i32_0 : i32, i32
  }
  func.func @transform_3(%arg0: i32) -> (i32, i32) {
    %c0_i32 = arith.constant 0 : i32
    %c0_i32_0 = arith.constant 0 : i32
    %c0_i32_1 = arith.constant 0 : i32
    return %c0_i32, %c0_i32_0 : i32, i32
  }
  func.func @transform_4(%arg0: i32) -> (i32, i32) {
    %c0_i32 = arith.constant 0 : i32
    %c0_i32_0 = arith.constant 0 : i32
    %c0_i32_1 = arith.constant 0 : i32
    return %c0_i32, %c0_i32_0 : i32, i32
  }
  func.func @transform_5(%arg0: i32) -> (i32, i32) {
    %c0_i32 = arith.constant 0 : i32
    %c0_i32_0 = arith.constant 0 : i32
    %c0_i32_1 = arith.constant 0 : i32
    return %c0_i32, %c0_i32_0 : i32, i32
  }
  func.func @transform_6(%arg0: i32) -> (i32, i32) {
    %c0_i32 = arith.constant 0 : i32
    %c0_i32_0 = arith.constant 0 : i32
    %c0_i32_1 = arith.constant 0 : i32
    return %c0_i32, %c0_i32_0 : i32, i32
  }
  func.func @transform_7(%arg0: i32) -> (i32, i32) {
    %c0_i32 = arith.constant 0 : i32
    %c0_i32_0 = arith.constant 0 : i32
    %c0_i32_1 = arith.constant 0 : i32
    return %c0_i32, %c0_i32_0 : i32, i32
  }
  func.func @transform_8(%arg0: i32) -> (i32, i32) {
    %c0_i32 = arith.constant 0 : i32
    %c0_i32_0 = arith.constant 0 : i32
    %c0_i32_1 = arith.constant 0 : i32
    return %c0_i32, %c0_i32_0 : i32, i32
  }
  func.func @transform_9(%arg0: i32) -> (i32, i32) {
    %c0_i32 = arith.constant 0 : i32
    %c0_i32_0 = arith.constant 0 : i32
    %c0_i32_1 = arith.constant 0 : i32
    return %c0_i32, %c0_i32_0 : i32, i32
  }
  func.func @transform_10(%arg0: i32) -> (i32, i32) {
    %c0_i32 = arith.constant 0 : i32
    %c0_i32_0 = arith.constant 0 : i32
    %c0_i32_1 = arith.constant 0 : i32
    return %c0_i32, %c0_i32_0 : i32, i32
  }
  func.func @transform_11(%arg0: i32) -> (i32, i32) {
    %c0_i32 = arith.constant 0 : i32
    %c0_i32_0 = arith.constant 0 : i32
    %c0_i32_1 = arith.constant 0 : i32
    return %c0_i32, %c0_i32_0 : i32, i32
  }
  func.func @transform_12(%arg0: i32) -> (i32, i32) {
    %c0_i32 = arith.constant 0 : i32
    %c0_i32_0 = arith.constant 0 : i32
    %c0_i32_1 = arith.constant 0 : i32
    return %c0_i32, %c0_i32_0 : i32, i32
  }
  func.func @transform_13(%arg0: i32) -> (i32, i32) {
    %c0_i32 = arith.constant 0 : i32
    %c0_i32_0 = arith.constant 0 : i32
    return %arg0, %c0_i32 : i32, i32
  }
}

</mosaic_0001>

<sc_bundles>
// kernel: kernel.5.cloned.1.call-start
scs
__scs_entry_jumppad:
0x0: {  	(pc) =	sbr.rel $0x88, $3  }
0x1: {  	(tag) =	ssettag $0x0;
	lr =	simm.s32 $0x1  }
0x2: {  	[smem:$0x3F91] =	sst lr;
	_ =	strace $0xD0000000  }
0x3: {  	_ = 	snop  }
0x4: {  	_ = 	snop  }
0x5: {  	_ = 	snop  }
0x6: {  	_ = 	snop  }
0x7: {  	_ = 	snop  }
__scs_overlays_trampoline_lowered:
0x8: {  	[smem:$0x3FA0] =	sst s0  }
0x9: {  	[smem:$0x3FA1] =	sst s1  }
0xa: {  	[smem:$0x3FA2] =	sst s2  }
0xb: {  	[smem:$0x3FA3] =	sst s3  }
0xc: {  	[smem:$0x3FA4] =	sst s4  }
0xd: {  	[smem:$0x3FA5] =	sst s5  }
0xe: {  	[smem:$0x3FA6] =	sst s6  }
0xf: {  	[smem:$0x3FA7] =	sst s7  }
0x10: {  	[smem:$0x3FA8] =	sst s8  }
0x11: {  	[smem:$0x3FA9] =	sst s9;
	s0 =	simm.s32 @!p0 $0x0  }
0x12: {  	s1 =	sld [smem:$0x3F8F];
	s0 =	simm.s32 @p0 $0x1  }
0x13: {  	[smem:$0x3FAA] =	sst s0;
	s0 =	simm.s32 @!p1 $0x0  }
0x14: {  	s2 =	sld [smem:$0x3F8E];
	s0 =	simm.s32 @p1 $0x1  }
0x15: {  	[smem:$0x3FAB] =	sst s0;
	s0 =	simm.s32 @!p2 $0x0  }
0x16: {  	s3 =	sld [smem:$0x3FDB];
	s0 =	simm.s32 @p2 $0x1  }
0x17: {  	s4 =	simm.s32 $0x1BF5;
	[smem:$0x3FAD] =	sst s0  }
0x18: {  	s0 =	sld [smem:$0x3F90];
	_ =	swait.ge [sflag:s4], $0x0  }
0x19: {  	s7 =	sld [smem:$0x3F91]  }
0x1a: {  	s8 =	sadd.s32 $0xFFFFE003, lr  }
0x1b: {  	s9 =	sadd.s32 $0xFFFFFEF7, lr;
	s5 =	simm.s32 $0xFFFFFFFF;
	p2 =	slt.u32 s8, $0xFFFFF086  }
0x1c: {  	p1 =	slt.u32 s9, $0xF7A;
	s5 =	simm.s32 @!p2 $0x0  }
0x1d: {  	s5 =	simm.s32 @p1 $0x1;
	p0 =	seq.s32 s7, s2  }
0x1e: {  	s7 =	smul.u32 @!p0 $0xF7A, s2;
	p2 =	seq.s32 @!p0 s5, $0x0  }
0x1f: {  	s9 =	smul.u32 $0xF7A, s1;
	s8 =	simm.s32 @!p0 $0x1BF5;
	p2 =	por !p2, p0  }
0x20: {  	[sflag:s8] =	ssyncset.s32 @!p0 $0xFFFFF086;
	s6 =	sadd.s32 @!p0 s3, s7;
	s7 =	simm.s32 @!p0 $0x108  }
0x21: {  	s3 =	sadd.s32 s3, s9;
	s6 =	sadd.s32 @!p0 $0x88, s6;
	s7 =	simm.s32 @p2 $0x1082  }
0x22: {  	[simem:s7], [sflag:s8] =	dma.local @!p0 [hbm:s6], $0xF7A  }
0x23: {  	s9 =	sor.u32 $0xD0000000, s2;
	s6 =	simm.s32 $0x108;
	_ =	swait.ge @!p0 [sflag:s8], $0x0  }
0x24: {  	s3 =	sadd.s32 $0x88, s3;
	s6 =	simm.s32 @!p1 $0x1082;
	[sflag:s4] =	ssyncset.s32 $0xFFFFF086  }
0x25: {  	[simem:s6], [sflag:s4] =	dma.local [hbm:s3], $0xF7A  }
0x26: {  	[smem:$0x3F91] =	sst s1;
	(tag) =	ssettag s2;
	_ =	strace s9  }
0x27: {  	s1 =	sld [smem:$0x3FA1]  }
0x28: {  	s2 =	sld [smem:$0x3FA2]  }
0x29: {  	s4 =	sld [smem:$0x3FA4]  }
0x2a: {  	p0 =	seq.s32 s5, $0x0;
	s5 =	sld [smem:$0x3FA5]  }
0x2b: {  	s6 =	sld [smem:$0x3FA6]  }
0x2c: {  	s7 =	sld [smem:$0x3FA7]  }
0x2d: {  	s3 =	simm.s32 $0x108;
	s8 =	sld [smem:$0x3FA8]  }
0x2e: {  	s3 =	simm.s32 @!p0 $0x1082;
	s9 =	sld [smem:$0x3FA9]  }
0x2f: {  	lr =	sadd.s32 s0, s3;
	s0 =	sld [smem:$0x3FA0]  }
0x30: {  	s3 =	sld [smem:$0x3FA3]  }
0x31: {  	[smem:$0x3FAC] =	sst s10  }
0x32: {  	s10 =	sld [smem:$0x3FAA];
	_ =	sdelay $0x3  }
0x33: {  	p0 =	seq.s32 s10, $0x1;
	s10 =	sld [smem:$0x3FAC];
	_ =	sdelay $0x3  }
0x34: {  	[smem:$0x3FAC] =	sst s10  }
0x35: {  	s10 =	sld [smem:$0x3FAB];
	_ =	sdelay $0x3  }
0x36: {  	p1 =	seq.s32 s10, $0x1;
	s10 =	sld [smem:$0x3FAC];
	_ =	sdelay $0x3  }
0x37: {  	[smem:$0x3FAC] =	sst s10  }
0x38: {  	s10 =	sld [smem:$0x3FAD]  }
0x39: {  	_ = 	snop;
	(pc) =	sbr.ind lr, $3  }
0x3a: {  	_ = 	snop  }
0x3b: {  	_ = 	snop  }
0x3c: {  	p2 =	seq.s32 s10, $0x1;
	s10 =	sld [smem:$0x3FAC]  }
0x3d: {  	_ =	shalt  }
0x3e: {  	_ =	shalt  }
0x3f: {  	_ =	shalt  }
0x40: {  	_ =	shalt  }
0x41: {  	_ =	shalt  }
0x42: {  	_ =	shalt  }
0x43: {  	_ =	shalt  }
0x44: {  	_ =	shalt  }
0x45: {  	_ =	shalt  }
0x46: {  	_ =	shalt  }
0x47: {  	_ =	shalt  }
0x48: {  	_ =	shalt  }
0x49: {  	_ =	shalt  }
0x4a: {  	_ =	shalt  }
0x4b: {  	_ =	shalt  }
0x4c: {  	_ =	shalt  }
0x4d: {  	_ =	shalt  }
0x4e: {  	_ =	shalt  }
0x4f: {  	_ =	shalt  }
0x50: {  	_ =	shalt  }
0x51: {  	_ =	shalt  }
0x52: {  	_ =	shalt  }
0x53: {  	_ =	shalt  }
0x54: {  	_ =	shalt  }
0x55: {  	_ =	shalt  }
0x56: {  	_ =	shalt  }
0x57: {  	_ =	shalt  }
0x58: {  	_ =	shalt  }
0x59: {  	_ =	shalt  }
0x5a: {  	_ =	shalt  }
0x5b: {  	_ =	shalt  }
0x5c: {  	_ =	shalt  }
0x5d: {  	_ =	shalt  }
0x5e: {  	_ =	shalt  }
0x5f: {  	_ =	shalt  }
0x60: {  	_ =	shalt  }
0x61: {  	_ =	shalt  }
0x62: {  	_ =	shalt  }
0x63: {  	_ =	shalt  }
0x64: {  	_ =	shalt  }
0x65: {  	_ =	shalt  }
0x66: {  	_ =	shalt  }
0x67: {  	_ =	shalt  }
0x68: {  	_ =	shalt  }
0x69: {  	_ =	shalt  }
0x6a: {  	_ =	shalt  }
0x6b: {  	_ =	shalt  }
0x6c: {  	_ =	shalt  }
0x6d: {  	_ =	shalt  }
0x6e: {  	_ =	shalt  }
0x6f: {  	_ =	shalt  }
0x70: {  	_ =	shalt  }
0x71: {  	_ =	shalt  }
0x72: {  	_ =	shalt  }
0x73: {  	_ =	shalt  }
0x74: {  	_ =	shalt  }
0x75: {  	_ =	shalt  }
0x76: {  	_ =	shalt  }
0x77: {  	_ =	shalt  }
0x78: {  	_ =	shalt  }
0x79: {  	_ =	shalt  }
0x7a: {  	_ =	shalt  }
0x7b: {  	_ =	shalt  }
0x7c: {  	_ =	shalt  }
0x7d: {  	_ =	shalt  }
0x7e: {  	_ =	shalt  }
0x7f: {  	_ =	shalt  }
0x80: {  	_ =	shalt  }
0x81: {  	_ =	shalt  }
0x82: {  	_ =	shalt  }
0x83: {  	_ =	shalt  }
0x84: {  	_ =	shalt  }
0x85: {  	_ =	shalt  }
0x86: {  	_ =	shalt  }
0x87: {  	_ =	shalt  }
.Lfunc_end0:
.L_simem_size_0:
called_computation_lowered:
.L_overlay_start_0:
0x88: {  	s2 =	sld [smem:$0x3FD9]  }
0x89: {  	s3 =	sld [smem:$0x3FFE];
	_ =	sdelay $0x1  }
0x8a: {  	s1 =	srdreg.scid  }
0x8b: {  	s0 =	sand.u32 $0x1, s1  }
0x8c: {  	s17 =	sshll.u32 s0, $0xA;
	s2 =	sadd.s32 s3, s2  }
0x8d: {  	s2 =	sadd.s32 s2, s17  }
0x8e: {  	[smem:$0x3FB8] =	sst s2  }
0x8f: {  	_ = 	snop  }
0x90: {  	s2 =	sld [smem:$0x3FC9]  }
0x91: {  	s18 =	sld [smem:$0x3FC8];
	(tm) =	ssettm $0x1  }
0x92: {  	s4 =	sld [smem:$0x3FFB];
	_ =	sdelay $0x3  }
0x93: {  	_ =	strace s4  }
0x94: {  	s4 =	sld [smem:$0x3FFC];
	_ =	sdelay $0x3  }
0x95: {  	_ =	strace s4  }
0x96: {  	s4 =	sld [smem:$0x3FFD];
	_ =	sdelay $0x3  }
0x97: {  	_ =	strace s4  }
0x98: {  	_ =	strace $0x8FFFFFFF  }
0x99: {  	s19 =	sld [smem:$0x3FDB];
	_ =	sdelay $0x1  }
0x9a: {  	s5 =	simm.s32 $_scs_section_size  }
0x9b: {  	s6 =	simm.s32 $_size__tile_overlayer_lowered;
	s7 =	simm.s32 $_tile_overlayer_lowered  }
0x9c: {  	s22 =	simm.s32 $0x1BFF;
	s21 =	sshll.u32 s7, $0x1;
	s4 =	sadd.s32 s5, s19  }
0x9d: {  	s8 =	simm.s32 $0x0;
	s20 =	sshll.u32 s6, $0x1;
	s6 =	sadd.s32 s21, s4  }
0x9e: {  	[timem:s8], [sflag:s22] =	dma.local [hbm:s6], s20  }
0x9f: {  	_ =	swait.ge [sflag:s22], s20  }
0xa0: {  	s5 =	ssub.s32 $0x0, s20;
	[sflag:s22] =	ssyncset.done $0x0  }
0xa1: {  	[sflag:s22] =	ssyncadd.s32 s5;
	_ =	sdelay $0x1  }
0xa2: {  	s23 =	simm.s32 $0x1B8B  }
0xa3: {  	_ =	swait.ge [sflag:s23], $0x1  }
0xa4: {  	[sflag:s23] =	ssyncset.done $0x0  }
0xa5: {  	s25 =	simm.s32 $0x1B8E;
	s24 =	sld [smem:$0x3FFE];
	[sflag:s23] =	ssyncadd.s32 $0xFFFFFFFF  }
0xa6: {  	s26 =	simm.s32 $execute0_lowered;
	[smem:$0x3FD2] =	sst s25  }
0xa7: {  	s6 =	sshll.u32 s26, $0x1;
	_ =	strace $0x80000046;
	[dreg:$0x1] =	wrdreg $0xFFFFFFFF  }
0xa8: {  	s28 =	simm.s32 $_size_execute0_lowered;
	s4 =	sadd.s32 s4, s6;
	[dreg:$0x0] =	wrdreg $0x0  }
0xa9: {  	s6 =	sshll.u32 s28, $0x1;
	[dreg:$0x2] =	wrdreg s4  }
0xaa: {  	[dreg:$0x3] =	wrdreg s6  }
0xab: {  	[dreg:$0x4] =	wrdreg $0xC0  }
0xac: {  	_ =	task [dreg:s8], $0x5FFFF  }
0xad: {  	[dreg:$0x1] =	wrdreg $0xFFFFFFFF  }
0xae: {  	[dreg:$0x0] =	wrdreg $0x60  }
0xaf: {  	[dreg:$0x2] =	wrdreg s2  }
0xb0: {  	[dreg:$0x3] =	wrdreg s18  }
0xb1: {  	[dreg:$0x4] =	wrdreg s24  }
0xb2: {  	[dreg:$0x5] =	wrdreg $0x9  }
0xb3: {  	_ =	task.clear_ibuf [dreg:s8], $0x6FFFF;
	_ =	strace $0x90000046  }
0xb4: {  	s29 =	simm.s32 $0x9;
	_ =	strace $0x80000048  }
0xb5: {  	_ =	swait.ge [sflag:s29], $0x1  }
0xb6: {  	[sflag:s29] =	ssyncadd.s32 $0xFFFFFFFF  }
0xb7: {  	_ =	strace $0x90000048  }
0xb8: {  	_ =	sfence  }
0xb9: {  	s30 =	sld [smem:$0x0];
	_ =	sdelay $0x2  }
0xba: {  	s31 =	sshll.u32 s1, $0xD;
	s1 =	sshrl.u32 s1, $0x2  }
0xbb: {  	s3 =	sand.u32 $0x4000, s31;
	s1 =	sadd.s32 s1, s30  }
0xbc: {  	s0 =	sor.u32 s3, s0;
	s1 =	sshll.u32 s1, $0x11  }
0xbd: {  	s0 =	sor.u32 s1, s0  }
0xbe: {  	s0 =	sadd.s32 $0x8F2B, s0  }
0xbf: {  	[sflag:s0] =	ssyncadd.remote.s32 $0x1  }
0xc0: {  	_ =	sfence.sel $0xFFFF  }
0xc1: {  	[dreg:$0x0] =	wrdreg $0xFFFFFFFF;
	(pc) =	sbr.abs _section_cstart, $3  }
0xc2: {  	[dreg:$0x1] =	wrdreg $0xFFFFFFFF  }
0xc3: {  	_ =	task.clear_ibuf [dreg:s8], $0x2FFFF;
	_ =	strace $0x9FFFFFFF  }
0xc4: {  	(tm) =	ssettm $0x7FFFFFFF  }
0xc5: {  	_ =	shalt  }
tec
execute0_lowered:
.L_overlay_start_1:
0x0: {  	(tag) =	ssettag $0x1  }
0x1: {  	s15 =	rddreg [dreg:$0x0];
	s1 =	srdreg.scid  }
0x2: {  	s17 =	rddreg [dreg:$0x1];
	s0 =	stileid.u32;
	s26 =	sand.u32 $0x1, s1  }
0x3: {  	s25 =	rddreg [dreg:$0x2];
	s3 =	sshll.u32 s0, $0xA;
	s4 =	sshll.u32 s26, $0x9  }
0x4: {  	s2 =	simm.s32 $0x0;
	s1 =	rddreg [dreg:$0x3];
	s28 =	sor.u32 s4, s3  }
0x5: {  	[smem:$0x7FF] =	sst s2;
	s16 =	sshrl.u32 s28, $0x3  }
0x6: {  	_ =	strace $0x80000047;
	s3 =	simm.s32 $0x2;
	s4 =	sadd.s32 s15, s16  }
0x7: {  	[tilespmem:s2], [sflag:$0x2] =	stream.linear.gather [hbm4b:s4+s2], $0x80, $0x38;
	[tilespmem:$0x10400] =	vst v63  }
0x8: {  	_ =	swait.ge [sflag:s3], $0x80  }
0x9: {  	[sflag:s3] =	ssyncset.done $0x0  }
0xa: {  	s6 =	simm.s32 $0x200;
	s5 =	sadd.s32 s17, s16;
	[sflag:s3] =	ssyncadd.s32 $0xFFFFFF80  }
0xb: {  	[tilespmem:s6], [sflag:$0x2] =	stream.linear.gather [hbm4b:s5+s2], $0x80, $0x38;
	[tilespmem:$0x10400] =	vst v63  }
0xc: {  	_ =	swait.ge [sflag:s3], $0x80  }
0xd: {  	s9 =	sor.u32 $0x10, s16;
	[sflag:s3] =	ssyncset.done $0x0  }
0xe: {  	s8 =	simm.s32 $0x80;
	s7 =	sadd.s32 s15, s9;
	[sflag:s3] =	ssyncadd.s32 $0xFFFFFF80  }
0xf: {  	[tilespmem:s8], [sflag:$0x2] =	stream.linear.gather [hbm4b:s7+s2], $0x80, $0x38;
	[tilespmem:$0x10400] =	vst v63  }
0x10: {  	_ =	swait.ge [sflag:s3], $0x80  }
0x11: {  	[sflag:s3] =	ssyncset.done $0x0  }
0x12: {  	s10 =	simm.s32 $0x280;
	s9 =	sadd.s32 s17, s9;
	[sflag:s3] =	ssyncadd.s32 $0xFFFFFF80  }
0x13: {  	[tilespmem:s10], [sflag:$0x2] =	stream.linear.gather [hbm4b:s9+s2], $0x80, $0x38;
	[tilespmem:$0x10400] =	vst v63  }
0x14: {  	_ =	swait.ge [sflag:s3], $0x80  }
0x15: {  	s13 =	sor.u32 $0x20, s16;
	[sflag:s3] =	ssyncset.done $0x0  }
0x16: {  	s12 =	simm.s32 $0x100;
	s11 =	sadd.s32 s15, s13;
	[sflag:s3] =	ssyncadd.s32 $0xFFFFFF80  }
0x17: {  	[tilespmem:s12], [sflag:$0x2] =	stream.linear.gather [hbm4b:s11+s2], $0x80, $0x38;
	[tilespmem:$0x10400] =	vst v63  }
0x18: {  	_ =	swait.ge [sflag:s3], $0x80  }
0x19: {  	[sflag:s3] =	ssyncset.done $0x0  }
0x1a: {  	s14 =	simm.s32 $0x300;
	s13 =	sadd.s32 s17, s13;
	[sflag:s3] =	ssyncadd.s32 $0xFFFFFF80  }
0x1b: {  	[tilespmem:s14], [sflag:$0x2] =	stream.linear.gather [hbm4b:s13+s2], $0x80, $0x38;
	[tilespmem:$0x10400] =	vst v63  }
0x1c: {  	_ =	swait.ge [sflag:s3], $0x80  }
0x1d: {  	s18 =	sor.u32 $0x30, s16;
	[sflag:s3] =	ssyncset.done $0x0  }
0x1e: {  	s16 =	simm.s32 $0x180;
	s15 =	sadd.s32 s15, s18;
	[sflag:s3] =	ssyncadd.s32 $0xFFFFFF80  }
0x1f: {  	[tilespmem:s16], [sflag:$0x2] =	stream.linear.gather [hbm4b:s15+s2], $0x80, $0x38;
	[tilespmem:$0x10400] =	vst v63  }
0x20: {  	_ =	swait.ge [sflag:s3], $0x80  }
0x21: {  	[sflag:s3] =	ssyncset.done $0x0  }
0x22: {  	s17 =	sadd.s32 s17, s18;
	s18 =	simm.s32 $0x380;
	[sflag:s3] =	ssyncadd.s32 $0xFFFFFF80  }
0x23: {  	[tilespmem:s18], [sflag:$0x2] =	stream.linear.gather [hbm4b:s17+s2], $0x80, $0x38;
	[tilespmem:$0x10400] =	vst v63  }
0x24: {  	_ =	swait.ge [sflag:s3], $0x80  }
0x25: {  	[sflag:s3] =	ssyncset.done $0x0  }
0x26: {  	s20 =	simm.s32 $0x400;
	s19 =	sadd.s32 $0x1A00, s25;
	[sflag:s3] =	ssyncadd.s32 $0xFFFFFF80  }
0x27: {  	[tilespmem:s20], [sflag:$0x1] =	stream.indirect.gather [hbm4b:s19+s8], $0x80, s2, s8, $0xb8;
	[tilespmem:$0x10400] =	vst v63  }
0x28: {  	s21 =	simm.s32 $0x4400  }
0x29: {  	[tilespmem:s21], [sflag:$0x1] =	stream.indirect.gather [hbm4b:s19+s8], $0x80, s8, s8, $0xb8;
	[tilespmem:$0x10400] =	vst v63  }
0x2a: {  	s22 =	simm.s32 $0x8400  }
0x2b: {  	[tilespmem:s22], [sflag:$0x1] =	stream.indirect.gather [hbm4b:s19+s8], $0x80, s12, s8, $0xb8;
	[tilespmem:$0x10400] =	vst v63  }
0x2c: {  	s23 =	simm.s32 $0xC400;
	s24 =	simm.s32 $0x1  }
0x2d: {  	[tilespmem:s23], [sflag:$0x1] =	stream.indirect.gather [hbm4b:s19+s8], $0x80, s16, s8, $0xb8;
	[tilespmem:$0x10400] =	vst v63  }
0x2e: {  	_ =	swait.ge [sflag:s24], $0x4000  }
0x2f: {  	[sflag:s24] =	ssyncset.done $0x0  }
0x30: {  	[sflag:s24] =	ssyncadd.s32 $0xFFFFC000  }
0x31: {  	_ =	swait.ge [sflag:s24], $0x4000  }
0x32: {  	[sflag:s24] =	ssyncset.done $0x0  }
0x33: {  	[sflag:s24] =	ssyncadd.s32 $0xFFFFC000  }
0x34: {  	_ =	swait.ge [sflag:s24], $0x4000  }
0x35: {  	[sflag:s24] =	ssyncset.done $0x0  }
0x36: {  	[sflag:s24] =	ssyncadd.s32 $0xFFFFC000  }
0x37: {  	s28 =	sshll.u32 s28, $0x4;
	_ =	swait.ge [sflag:s24], $0x4000  }
0x38: {  	s28 =	sadd.s32 s28, s25;
	[sflag:s24] =	ssyncset.done $0x0  }
0x39: {  	s25 =	sadd.s32 $0xF43E00, s28;
	[sflag:s24] =	ssyncadd.s32 $0xFFFFC000  }
0x3a: {  	[hbm4b:s25+s2] =	stream.linear.scatter [tilespmem:s20], [sflag:$0x2], $0x10000, $0x38;
	[tilespmem:$0x10400] =	vst v63  }
0x3b: {  	_ =	swait.ge [sflag:s3], $0x10000  }
0x3c: {  	[sflag:s3] =	ssyncset.done $0x0  }
0x3d: {  	[sflag:s3] =	ssyncadd.s32 $0xFFFF0000  }
0x3e: {  	[tilespmem:s20], [sflag:$0x1] =	stream.indirect.gather [hbm4b:s19+s8], $0x80, s6, s8, $0xb8;
	[tilespmem:$0x10400] =	vst v63  }
0x3f: {  	_ = 	snop  }
0x40: {  	[tilespmem:s21], [sflag:$0x1] =	stream.indirect.gather [hbm4b:s19+s8], $0x80, s10, s8, $0xb8;
	[tilespmem:$0x10400] =	vst v63  }
0x41: {  	_ = 	snop  }
0x42: {  	[tilespmem:s22], [sflag:$0x1] =	stream.indirect.gather [hbm4b:s19+s8], $0x80, s14, s8, $0xb8;
	[tilespmem:$0x10400] =	vst v63  }
0x43: {  	_ = 	snop  }
0x44: {  	[tilespmem:s23], [sflag:$0x1] =	stream.indirect.gather [hbm4b:s19+s8], $0x80, s18, s8, $0xb8;
	[tilespmem:$0x10400] =	vst v63  }
0x45: {  	_ =	swait.ge [sflag:s24], $0x4000  }
0x46: {  	[sflag:s24] =	ssyncset.done $0x0  }
0x47: {  	[sflag:s24] =	ssyncadd.s32 $0xFFFFC000  }
0x48: {  	_ =	swait.ge [sflag:s24], $0x4000  }
0x49: {  	[sflag:s24] =	ssyncset.done $0x0  }
0x4a: {  	s26 =	ssub.s32 $0x2, s26;
	[sflag:s24] =	ssyncadd.s32 $0xFFFFC000  }
0x4b: {  	s29 =	sshrl.u32 s26, $0x1;
	_ =	swait.ge [sflag:s24], $0x4000  }
0x4c: {  	s29 =	ssub.s32 s26, s29;
	[sflag:s24] =	ssyncset.done $0x0  }
0x4d: {  	s26 =	sadd.s32 $0xF83E00, s28;
	s28 =	smax.u32 s29, $0x1;
	[sflag:s24] =	ssyncadd.s32 $0xFFFFC000  }
0x4e: {  	p0 =	sne.s32 s28, $0x1;
	_ =	swait.ge [sflag:s24], $0x4000  }
.Ltmp0:
0x4f: {  	[sflag:s24] =	ssyncset.done $0x0;
	(pc) =	sbr.rel @!p0 .LBB2_2-.Ltmp0, $4  }
0x50: {  	[sflag:s24] =	ssyncadd.s32 $0xFFFFC000  }
0x51: {  	[hbm4b:s26+s2] =	stream.linear.scatter [tilespmem:s20], [sflag:$0x2], $0x10000, $0x38;
	[tilespmem:$0x10400] =	vst v63  }
0x52: {  	_ =	swait.ge [sflag:s3], $0x10000  }
0x53: {  	s28 =	sadd.s32 $0xFFFFFFFF, s28;
	[sflag:s3] =	ssyncset.done $0x0  }
.LBB2_1:
0x54: {  	p0 =	sne.s32 s28, $0x1;
	s28 =	sadd.s32 $0xFFFFFFFF, s28;
	[sflag:s3] =	ssyncadd.s32 $0xFFFF0000  }
0x55: {  	[tilespmem:s2], [sflag:$0x2] =	stream.linear.gather [hbm4b:s4+s2], $0x80, $0x38;
	[tilespmem:$0x10400] =	vst v63  }
0x56: {  	_ =	swait.ge [sflag:s3], $0x80  }
0x57: {  	[sflag:s3] =	ssyncset.done $0x0  }
0x58: {  	[sflag:s3] =	ssyncadd.s32 $0xFFFFFF80  }
0x59: {  	[tilespmem:s6], [sflag:$0x2] =	stream.linear.gather [hbm4b:s5+s2], $0x80, $0x38;
	[tilespmem:$0x10400] =	vst v63  }
0x5a: {  	_ =	swait.ge [sflag:s3], $0x80  }
0x5b: {  	[sflag:s3] =	ssyncset.done $0x0  }
0x5c: {  	[sflag:s3] =	ssyncadd.s32 $0xFFFFFF80  }
0x5d: {  	[tilespmem:s8], [sflag:$0x2] =	stream.linear.gather [hbm4b:s7+s2], $0x80, $0x38;
	[tilespmem:$0x10400] =	vst v63  }
0x5e: {  	_ =	swait.ge [sflag:s3], $0x80  }
0x5f: {  	[sflag:s3] =	ssyncset.done $0x0  }
0x60: {  	[sflag:s3] =	ssyncadd.s32 $0xFFFFFF80  }
0x61: {  	[tilespmem:s10], [sflag:$0x2] =	stream.linear.gather [hbm4b:s9+s2], $0x80, $0x38;
	[tilespmem:$0x10400] =	vst v63  }
0x62: {  	_ =	swait.ge [sflag:s3], $0x80  }
0x63: {  	[sflag:s3] =	ssyncset.done $0x0  }
0x64: {  	[sflag:s3] =	ssyncadd.s32 $0xFFFFFF80  }
0x65: {  	[tilespmem:s12], [sflag:$0x2] =	stream.linear.gather [hbm4b:s11+s2], $0x80, $0x38;
	[tilespmem:$0x10400] =	vst v63  }
0x66: {  	_ =	swait.ge [sflag:s3], $0x80  }
0x67: {  	[sflag:s3] =	ssyncset.done $0x0  }
0x68: {  	[sflag:s3] =	ssyncadd.s32 $0xFFFFFF80  }
0x69: {  	[tilespmem:s14], [sflag:$0x2] =	stream.linear.gather [hbm4b:s13+s2], $0x80, $0x38;
	[tilespmem:$0x10400] =	vst v63  }
0x6a: {  	_ =	swait.ge [sflag:s3], $0x80  }
0x6b: {  	[sflag:s3] =	ssyncset.done $0x0  }
0x6c: {  	[sflag:s3] =	ssyncadd.s32 $0xFFFFFF80  }
0x6d: {  	[tilespmem:s16], [sflag:$0x2] =	stream.linear.gather [hbm4b:s15+s2], $0x80, $0x38;
	[tilespmem:$0x10400] =	vst v63  }
0x6e: {  	_ =	swait.ge [sflag:s3], $0x80  }
0x6f: {  	[sflag:s3] =	ssyncset.done $0x0  }
0x70: {  	[sflag:s3] =	ssyncadd.s32 $0xFFFFFF80  }
0x71: {  	[tilespmem:s18], [sflag:$0x2] =	stream.linear.gather [hbm4b:s17+s2], $0x80, $0x38;
	[tilespmem:$0x10400] =	vst v63  }
0x72: {  	_ =	swait.ge [sflag:s3], $0x80  }
0x73: {  	[sflag:s3] =	ssyncset.done $0x0  }
0x74: {  	[sflag:s3] =	ssyncadd.s32 $0xFFFFFF80  }
0x75: {  	[tilespmem:s20], [sflag:$0x1] =	stream.indirect.gather [hbm4b:s19+s8], $0x80, s2, s8, $0xb8;
	[tilespmem:$0x10400] =	vst v63  }
0x76: {  	_ = 	snop  }
0x77: {  	[tilespmem:s21], [sflag:$0x1] =	stream.indirect.gather [hbm4b:s19+s8], $0x80, s8, s8, $0xb8;
	[tilespmem:$0x10400] =	vst v63  }
0x78: {  	_ = 	snop  }
0x79: {  	[tilespmem:s22], [sflag:$0x1] =	stream.indirect.gather [hbm4b:s19+s8], $0x80, s12, s8, $0xb8;
	[tilespmem:$0x10400] =	vst v63  }
0x7a: {  	_ = 	snop  }
0x7b: {  	[tilespmem:s23], [sflag:$0x1] =	stream.indirect.gather [hbm4b:s19+s8], $0x80, s16, s8, $0xb8;
	[tilespmem:$0x10400] =	vst v63  }
0x7c: {  	_ =	swait.ge [sflag:s24], $0x4000  }
0x7d: {  	[sflag:s24] =	ssyncset.done $0x0  }
0x7e: {  	[sflag:s24] =	ssyncadd.s32 $0xFFFFC000  }
0x7f: {  	_ =	swait.ge [sflag:s24], $0x4000  }
0x80: {  	[sflag:s24] =	ssyncset.done $0x0  }
0x81: {  	[sflag:s24] =	ssyncadd.s32 $0xFFFFC000  }
0x82: {  	_ =	swait.ge [sflag:s24], $0x4000  }
0x83: {  	[sflag:s24] =	ssyncset.done $0x0  }
0x84: {  	[sflag:s24] =	ssyncadd.s32 $0xFFFFC000  }
0x85: {  	_ =	swait.ge [sflag:s24], $0x4000  }
0x86: {  	[sflag:s24] =	ssyncset.done $0x0  }
0x87: {  	[sflag:s24] =	ssyncadd.s32 $0xFFFFC000  }
0x88: {  	[hbm4b:s25+s2] =	stream.linear.scatter [tilespmem:s20], [sflag:$0x2], $0x10000, $0x38;
	[tilespmem:$0x10400] =	vst v63  }
0x89: {  	_ =	swait.ge [sflag:s3], $0x10000  }
0x8a: {  	[sflag:s3] =	ssyncset.done $0x0  }
0x8b: {  	[sflag:s3] =	ssyncadd.s32 $0xFFFF0000  }
0x8c: {  	[tilespmem:s20], [sflag:$0x1] =	stream.indirect.gather [hbm4b:s19+s8], $0x80, s6, s8, $0xb8;
	[tilespmem:$0x10400] =	vst v63  }
0x8d: {  	_ = 	snop  }
0x8e: {  	[tilespmem:s21], [sflag:$0x1] =	stream.indirect.gather [hbm4b:s19+s8], $0x80, s10, s8, $0xb8;
	[tilespmem:$0x10400] =	vst v63  }
0x8f: {  	_ = 	snop  }
0x90: {  	[tilespmem:s22], [sflag:$0x1] =	stream.indirect.gather [hbm4b:s19+s8], $0x80, s14, s8, $0xb8;
	[tilespmem:$0x10400] =	vst v63  }
0x91: {  	_ = 	snop  }
0x92: {  	[tilespmem:s23], [sflag:$0x1] =	stream.indirect.gather [hbm4b:s19+s8], $0x80, s18, s8, $0xb8;
	[tilespmem:$0x10400] =	vst v63  }
0x93: {  	_ =	swait.ge [sflag:s24], $0x4000  }
0x94: {  	[sflag:s24] =	ssyncset.done $0x0  }
0x95: {  	[sflag:s24] =	ssyncadd.s32 $0xFFFFC000  }
0x96: {  	_ =	swait.ge [sflag:s24], $0x4000  }
0x97: {  	[sflag:s24] =	ssyncset.done $0x0  }
0x98: {  	[sflag:s24] =	ssyncadd.s32 $0xFFFFC000  }
0x99: {  	_ =	swait.ge [sflag:s24], $0x4000  }
0x9a: {  	[sflag:s24] =	ssyncset.done $0x0  }
0x9b: {  	[sflag:s24] =	ssyncadd.s32 $0xFFFFC000  }
0x9c: {  	_ =	swait.ge [sflag:s24], $0x4000  }
.Ltmp1:
0x9d: {  	[sflag:s24] =	ssyncset.done $0x0;
	(pc) =	sbr.rel @p0 .LBB2_1-.Ltmp1, $4  }
0x9e: {  	[sflag:s24] =	ssyncadd.s32 $0xFFFFC000  }
0x9f: {  	[hbm4b:s26+s2] =	stream.linear.scatter [tilespmem:s20], [sflag:$0x2], $0x10000, $0x38;
	[tilespmem:$0x10400] =	vst v63  }
0xa0: {  	_ =	swait.ge [sflag:s3], $0x10000  }
0xa1: {  	[sflag:s3] =	ssyncset.done $0x0  }
.LBB2_2:
0xa2: {  	[sflag:s3] =	ssyncadd.s32 $0xFFFF0000  }
0xa3: {  	_ =	sfence.sel $0x180000  }
0xa4: {  	[bflag:$0x0] =	sbarrier.arrive $0xFFFF  }
0xa5: {  	p0 =	sne.s32 s0, $0x0;
	_ =	strace $0x90000047  }
0xa6: {  	s0 =	sadd.s32 @!p0 $0x100000, s1;
	[bflag:$0x2] =	sbarrier.arrive $0xFFFF  }
0xa7: {  	[sflag:s0] =	ssyncadd.tile.s32 @!p0 $0x1;
	_ =	shalt  }
.Lfunc_end2:
_tile_overlayer_lowered:
.L_overlay_start_2:
0xa8: {  	(tag) =	ssettag $0x2  }
0xa9: {  	s0 =	rddreg [dreg:$0x0];
	s2 =	stileid.u32  }
0xaa: {  	s1 =	rddreg [dreg:$0x1];
	p0 =	sne.s32 s2, $0x0  }
0xab: {  	s3 =	rddreg [dreg:$0x2];
	[bflag:$0x3] =	sbarrier.arrive $0xFFFF;
	s2 =	simm.s32 @!p0 $0x1C02  }
0xac: {  	[timem:s3], [sflag:s2] =	dma.local @!p0 [hbm:s0], s1  }
0xad: {  	s0 =	simm.s32 @!p0 $0x2  }
0xae: {  	_ =	swait.ge @!p0 [sflag:s0], s1  }
0xaf: {  	s1 =	ssub.s32 @!p0 $0x0, s1;
	[sflag:s0] =	ssyncset.done @!p0 $0x0  }
0xb0: {  	[sflag:s0] =	ssyncadd.s32 @!p0 s1  }
0xb1: {  	[bflag:$0x3] =	sbarrier.arrive $0xFFFF  }
0xb2: {  	_ =	shalt  }

</sc_bundles>
